<compile_context>
chip_gen: v7x
topology: tpu7x:2x2x1
jax: 0.10.2.dev20260603
libtpu: 0.0.44.dev20260713+nightly
codegen_flags: <defaults>
</compile_context>

<pallas_src>
import functools

import jax
import jax.numpy as jnp
from jax import lax
from jax.experimental import pallas as pl
from jax.experimental.pallas import tpu as pltpu
from jax.experimental.pallas import tpu_sc as plsc

T = 2048
D = 768
H = 512
E = 64
TB = 64
NB = 96

_NC = 2
_NS = 16
_NW = _NC * _NS



def _router_body(x_ref, wr_ref, o_ref):
    scores = jnp.dot(x_ref[...], wr_ref[...],
                     preferred_element_type=jnp.float32)
    m = jnp.max(scores, axis=1, keepdims=True)
    ids = lax.broadcasted_iota(jnp.int32, scores.shape, 1)
    o_ref[...] = jnp.min(jnp.where(scores == m, ids, E), axis=1,
                         keepdims=True)


def _router(x2d, wr_t):
    return pl.pallas_call(
        _router_body,
        out_shape=jax.ShapeDtypeStruct((T, 1), jnp.int32),
    )(x2d, wr_t)



@functools.lru_cache(maxsize=None)
def _make_sc_permute(rows_table, rows_out):
    chunk = T // _NW
    mesh = plsc.VectorSubcoreMesh(core_axis_name="c", subcore_axis_name="s",
                                  num_cores=_NC, num_subcores=_NS)

    @functools.partial(
        pl.kernel,
        out_type=jax.ShapeDtypeStruct((rows_out, D), jnp.float32),
        mesh=mesh,
        scratch_types=[
            pltpu.VMEM((chunk,), jnp.int32),
            pltpu.VMEM((chunk,), jnp.int32),
            pltpu.VMEM((chunk, D), jnp.float32),
            pltpu.SemaphoreType.DMA,
        ],
    )
    def permute(table_hbm, src_hbm, dst_hbm, out_hbm, src_v, dst_v, rows_v,
                sem):
        wid = lax.axis_index("s") * _NC + lax.axis_index("c")
        base = wid * chunk
        pltpu.sync_copy(src_hbm.at[pl.ds(base, chunk)], src_v)
        pltpu.sync_copy(dst_hbm.at[pl.ds(base, chunk)], dst_v)
        pltpu.async_copy(table_hbm.at[src_v], rows_v, sem).wait()
        pltpu.async_copy(rows_v, out_hbm.at[dst_v], sem).wait()

    return permute


def _sc_permute(table, src_idx, dst_idx, rows_out):
    return _make_sc_permute(table.shape[0], rows_out)(table, src_idx, dst_idx)



def _ff_body(be_ref, nbt_ref, x_ref, w1_ref, w3_ref, w2_ref, o_ref):
    i = pl.program_id(0)

    @pl.when(i < nbt_ref[0])
    def _():
        xb = x_ref[...]
        a = jnp.dot(xb, w1_ref[0], preferred_element_type=jnp.float32)
        b = jnp.dot(xb, w3_ref[0], preferred_element_type=jnp.float32)
        h = a * jax.nn.sigmoid(a) * b
        o_ref[...] = jnp.dot(h, w2_ref[0], preferred_element_type=jnp.float32)


def _grouped_ff(be, nbt, x_ps, W1, W3, W2):
    grid_spec = pltpu.PrefetchScalarGridSpec(
        num_scalar_prefetch=2,
        grid=(NB,),
        in_specs=[
            pl.BlockSpec((TB, D),
                         lambda i, be, nbt: (jnp.minimum(i, nbt[0] - 1), 0)),
            pl.BlockSpec((1, D, H), lambda i, be, nbt: (be[i], 0, 0)),
            pl.BlockSpec((1, D, H), lambda i, be, nbt: (be[i], 0, 0)),
            pl.BlockSpec((1, H, D), lambda i, be, nbt: (be[i], 0, 0)),
        ],
        out_specs=pl.BlockSpec(
            (TB, D), lambda i, be, nbt: (jnp.minimum(i, nbt[0] - 1), 0)),
    )
    return pl.pallas_call(
        _ff_body,
        grid_spec=grid_spec,
        out_shape=jax.ShapeDtypeStruct((NB * TB, D), jnp.float32),
    )(be, nbt, x_ps, W1, W3, W2)



def kernel(x, W_router, W1, W2, W3):
    orig_shape = x.shape
    x2d = x.reshape(T, D)
    i32 = jnp.int32

    eid = _router(x2d, W_router.T)[:, 0]

    s_arr = jnp.arange(T, dtype=i32)
    e_s, order = lax.sort_key_val(eid, s_arr)
    onehot = (e_s[:, None] == jnp.arange(E, dtype=i32)[None, :])
    counts = jnp.sum(onehot.astype(i32), axis=0)
    nb = (counts + TB - 1) // TB
    inc = jnp.cumsum(nb).astype(i32)
    blk_start = inc - nb.astype(i32)
    total_blocks = inc[-1]

    i_arr = jnp.arange(NB, dtype=i32)
    be0 = jnp.sum((i_arr[:, None] >= inc[None, :]).astype(i32), axis=1)
    be0 = jnp.clip(be0, 0, E - 1)
    be_last = be0[jnp.maximum(total_blocks - 1, 0)]
    be = jnp.where(i_arr < total_blocks, be0, be_last)

    is_new = jnp.concatenate([jnp.ones((1,), jnp.bool_),
                              e_s[1:] != e_s[:-1]])
    off_g = lax.cummax(jnp.where(is_new, s_arr, 0))
    bs_g = jnp.dot(onehot.astype(jnp.float32), blk_start.astype(jnp.float32),
                   precision=lax.Precision.HIGHEST,
                   preferred_element_type=jnp.float32).astype(i32)
    p_s = bs_g * TB + (s_arr - off_g)

    x_ps = _sc_permute(x2d, order, p_s, NB * TB)
    y_ps = _grouped_ff(be, total_blocks[None], x_ps, W1, W3, W2)
    y = _sc_permute(y_ps, p_s, order, T)
    return y.reshape(orig_shape)

# --- scband reference (transcript-rebuilt; emitter-appended) ---
"""Pipeline reference for scband-mo-eblock-57964878626956 (READ-ONLY COPY).

The authoritative reference and input builder live on the scoring server;
editing this copy changes nothing except your own understanding.
"""

import jax, jax.numpy as jnp
import numpy as np

E = 64
D = 768
H = 512
K = 1
B = 1
S = 2048


def setup_inputs(seed: int = 0) -> dict:
    key = jax.random.key(seed)
    ks = jax.random.split(key, 5)
    x = jax.random.normal(ks[0], (B, S, D), dtype=jnp.float32)
    W_router = jax.random.normal(ks[1], (E, D), dtype=jnp.float32) * (D ** -0.5)
    W1 = jax.random.normal(ks[2], (E, D, H), dtype=jnp.float32) * (D ** -0.5)
    W3 = jax.random.normal(ks[3], (E, D, H), dtype=jnp.float32) * (D ** -0.5)
    W2 = jax.random.normal(ks[4], (E, H, D), dtype=jnp.float32) * (H ** -0.5)
    return {"x": x, "W_router": W_router, "W1": W1, "W2": W2, "W3": W3}


def reference(x, W_router, W1, W2, W3):
    # x: (b, seq, emb_dim)
    original_shape = x.shape
    xf = x.reshape(-1, original_shape[-1])  # (T, D)
    # router: Linear(emb_dim, n_experts, bias=False) -> x @ W.T
    scores = xf @ W_router.T  # (T, E)
    top_k_scores, top_k_indices = jax.lax.top_k(scores, K)  # (T, K)
    top_k_probs = jax.nn.softmax(top_k_scores, axis=-1)  # (T, K)
    y = jnp.zeros_like(xf)
    for i in range(K):
        expert_index = top_k_indices[:, i]  # (T,)
        expert_probs = top_k_probs[:, i][:, None]  # (T, 1)
        for e in range(E):
            # masked dense computation: identical math to sparse dispatch
            mask = (expert_index == e).astype(xf.dtype)[:, None]  # (T, 1)
            # SwiGLU expert: w2( silu(w1 x) * (w3 x) )
            h = jax.nn.silu(xf @ W1[e]) * (xf @ W3[e])  # (T, H)
            out = h @ W2[e]  # (T, D)
            y = y + mask * expert_probs * out
    return y.reshape(original_shape)

if __name__ == "__main__":
    import jax
    _d = setup_inputs()
    print(jax.jit(kernel)(*tuple(_d.values())))

</pallas_src>

<mosaic_0001>
#map = affine_map<(d0, d1) -> (0, 0)>
#map1 = affine_map<(d0, d1) -> (0)>
module attributes {stable_mosaic.version = 14 : i64} {
  func.func @permute(%arg0: i32, %arg1: i32, %arg2: memref<2048x768xf32, #tpu.memory_space<hbm>>, %arg3: memref<2048xi32, #tpu.memory_space<hbm>>, %arg4: memref<2048xi32, #tpu.memory_space<hbm>>, %arg5: memref<6144x768xf32, #tpu.memory_space<hbm>>, %arg6: memref<64xi32, #tpu.memory_space<vmem>>, %arg7: memref<64xi32, #tpu.memory_space<vmem>>, %arg8: memref<64x768xf32, #tpu.memory_space<vmem>>, %arg9: memref<!tpu.dma_semaphore, #tpu.memory_space<semaphore_mem>>) attributes {dimension_semantics = [#tpu.dimension_semantics<core_parallel>, #tpu.dimension_semantics<subcore_parallel>], iteration_bounds = array<i64: 2, 16>, scalar_prefetch = 0 : i64, scratch_operands = 4 : i64, tpu.core_type = #tpu.core_type<sc_vector_subcore>, window_params = [{transform_indices = #map}, {transform_indices = #map1}, {transform_indices = #map1}, {transform_indices = #map}]} {
    %mul3A = arith.constant 2 : i32
    %mul3A_0 = arith.muli %arg1, %mul3A : i32
    %add3A = arith.addi %mul3A_0, %arg0 : i32
    %mul3A_1 = arith.constant 64 : i32
    %mul3A_2 = arith.muli %add3A, %mul3A_1 : i32
    "tpu.region"() ({
      %run_scoped3A = tpu.sem_alloc : memref<!tpu.dma_semaphore, #tpu.memory_space<semaphore_mem>>
      %dma_start3A_13 = tpu.memref_slice %arg3[%mul3A_2] : memref<2048xi32, #tpu.memory_space<hbm>> -> memref<64xi32, #tpu.memory_space<hbm>>
      %dma_start3A_14 = tpu.memref_slice %arg3[%mul3A_2] : memref<2048xi32, #tpu.memory_space<hbm>> -> memref<64xi32, #tpu.memory_space<hbm>>
      tpu.enqueue_dma source(%dma_start3A_14 : memref<64xi32, #tpu.memory_space<hbm>>) target(%arg6 : memref<64xi32, #tpu.memory_space<vmem>>) target_semaphore(%run_scoped3A : memref<!tpu.dma_semaphore, #tpu.memory_space<semaphore_mem>>)
      %dma_wait3A_15 = tpu.memref_slice %arg3[%mul3A_2] : memref<2048xi32, #tpu.memory_space<hbm>> -> memref<64xi32, #tpu.memory_space<hbm>>
      %dma_wait3A_16 = tpu.memref_slice %arg3[%mul3A_2] : memref<2048xi32, #tpu.memory_space<hbm>> -> memref<64xi32, #tpu.memory_space<hbm>>
      tpu.wait_dma2 semaphore(%run_scoped3A : memref<!tpu.dma_semaphore, #tpu.memory_space<semaphore_mem>>) src(%dma_wait3A_16 : memref<64xi32, #tpu.memory_space<hbm>>) dst(%arg6 : memref<64xi32, #tpu.memory_space<vmem>>)
      tpu.yield
    }) : () -> ()
    "tpu.region"() ({
      %run_scoped3A = tpu.sem_alloc : memref<!tpu.dma_semaphore, #tpu.memory_space<semaphore_mem>>
      %dma_start3A_13 = tpu.memref_slice %arg4[%mul3A_2] : memref<2048xi32, #tpu.memory_space<hbm>> -> memref<64xi32, #tpu.memory_space<hbm>>
      %dma_start3A_14 = tpu.memref_slice %arg4[%mul3A_2] : memref<2048xi32, #tpu.memory_space<hbm>> -> memref<64xi32, #tpu.memory_space<hbm>>
      tpu.enqueue_dma source(%dma_start3A_14 : memref<64xi32, #tpu.memory_space<hbm>>) target(%arg7 : memref<64xi32, #tpu.memory_space<vmem>>) target_semaphore(%run_scoped3A : memref<!tpu.dma_semaphore, #tpu.memory_space<semaphore_mem>>)
      %dma_wait3A_15 = tpu.memref_slice %arg4[%mul3A_2] : memref<2048xi32, #tpu.memory_space<hbm>> -> memref<64xi32, #tpu.memory_space<hbm>>
      %dma_wait3A_16 = tpu.memref_slice %arg4[%mul3A_2] : memref<2048xi32, #tpu.memory_space<hbm>> -> memref<64xi32, #tpu.memory_space<hbm>>
      tpu.wait_dma2 semaphore(%run_scoped3A : memref<!tpu.dma_semaphore, #tpu.memory_space<semaphore_mem>>) src(%dma_wait3A_16 : memref<64xi32, #tpu.memory_space<hbm>>) dst(%arg7 : memref<64xi32, #tpu.memory_space<vmem>>)
      tpu.yield
    }) : () -> ()
    %dma_start3A = arith.constant 0 : i32
    %dma_start3A_3 = arith.constant 0 : i32
    %dma_start3A_4 = tpu.memref_slice %arg2[%dma_start3A, %dma_start3A_3] : memref<2048x768xf32, #tpu.memory_space<hbm>> -> memref<2048x768xf32, #tpu.memory_space<hbm>>
    tpu.enqueue_indirect_dma source(%dma_start3A_4 : memref<2048x768xf32, #tpu.memory_space<hbm>>) target(%arg8 : memref<64x768xf32, #tpu.memory_space<vmem>>) offsets(%arg6 : memref<64xi32, #tpu.memory_space<vmem>>) semaphore(%arg9 : memref<!tpu.dma_semaphore, #tpu.memory_space<semaphore_mem>>)
    %dma_wait3A = arith.constant 0 : i32
    %dma_wait3A_5 = arith.constant 0 : i32
    %dma_wait3A_6 = tpu.memref_slice %arg2[%dma_wait3A, %dma_wait3A_5] : memref<2048x768xf32, #tpu.memory_space<hbm>> -> memref<2048x768xf32, #tpu.memory_space<hbm>>
    tpu.wait_indirect_dma semaphore(%arg9 : memref<!tpu.dma_semaphore, #tpu.memory_space<semaphore_mem>>) src(%dma_wait3A_6 : memref<2048x768xf32, #tpu.memory_space<hbm>>) dst(%arg8 : memref<64x768xf32, #tpu.memory_space<vmem>>)
    %dma_start3A_7 = arith.constant 0 : i32
    %dma_start3A_8 = arith.constant 0 : i32
    %dma_start3A_9 = tpu.memref_slice %arg5[%dma_start3A_7, %dma_start3A_8] : memref<6144x768xf32, #tpu.memory_space<hbm>> -> memref<6144x768xf32, #tpu.memory_space<hbm>>
    tpu.enqueue_indirect_dma source(%arg8 : memref<64x768xf32, #tpu.memory_space<vmem>>) target(%dma_start3A_9 : memref<6144x768xf32, #tpu.memory_space<hbm>>) offsets(%arg7 : memref<64xi32, #tpu.memory_space<vmem>>) semaphore(%arg9 : memref<!tpu.dma_semaphore, #tpu.memory_space<semaphore_mem>>)
    %dma_wait3A_10 = arith.constant 0 : i32
    %dma_wait3A_11 = arith.constant 0 : i32
    %dma_wait3A_12 = tpu.memref_slice %arg5[%dma_wait3A_10, %dma_wait3A_11] : memref<6144x768xf32, #tpu.memory_space<hbm>> -> memref<6144x768xf32, #tpu.memory_space<hbm>>
    tpu.wait_indirect_dma semaphore(%arg9 : memref<!tpu.dma_semaphore, #tpu.memory_space<semaphore_mem>>) src(%arg8 : memref<64x768xf32, #tpu.memory_space<vmem>>) dst(%dma_wait3A_12 : memref<6144x768xf32, #tpu.memory_space<hbm>>)
    return
  }
}

#map = affine_map<(d0, d1) -> (0, 0)>
#map1 = affine_map<(d0, d1) -> (0)>
module attributes {stable_mosaic.version = 14 : i64} {
  func.func @permute(%arg0: i32, %arg1: i32, %arg2: memref<6144x768xf32, #tpu.memory_space<hbm>>, %arg3: memref<2048xi32, #tpu.memory_space<hbm>>, %arg4: memref<2048xi32, #tpu.memory_space<hbm>>, %arg5: memref<2048x768xf32, #tpu.memory_space<hbm>>, %arg6: memref<64xi32, #tpu.memory_space<vmem>>, %arg7: memref<64xi32, #tpu.memory_space<vmem>>, %arg8: memref<64x768xf32, #tpu.memory_space<vmem>>, %arg9: memref<!tpu.dma_semaphore, #tpu.memory_space<semaphore_mem>>) attributes {dimension_semantics = [#tpu.dimension_semantics<core_parallel>, #tpu.dimension_semantics<subcore_parallel>], iteration_bounds = array<i64: 2, 16>, scalar_prefetch = 0 : i64, scratch_operands = 4 : i64, tpu.core_type = #tpu.core_type<sc_vector_subcore>, window_params = [{transform_indices = #map}, {transform_indices = #map1}, {transform_indices = #map1}, {transform_indices = #map}]} {
    %mul3A = arith.constant 2 : i32
    %mul3A_0 = arith.muli %arg1, %mul3A : i32
    %add3A = arith.addi %mul3A_0, %arg0 : i32
    %mul3A_1 = arith.constant 64 : i32
    %mul3A_2 = arith.muli %add3A, %mul3A_1 : i32
    "tpu.region"() ({
      %run_scoped3A = tpu.sem_alloc : memref<!tpu.dma_semaphore, #tpu.memory_space<semaphore_mem>>
      %dma_start3A_13 = tpu.memref_slice %arg3[%mul3A_2] : memref<2048xi32, #tpu.memory_space<hbm>> -> memref<64xi32, #tpu.memory_space<hbm>>
      %dma_start3A_14 = tpu.memref_slice %arg3[%mul3A_2] : memref<2048xi32, #tpu.memory_space<hbm>> -> memref<64xi32, #tpu.memory_space<hbm>>
      tpu.enqueue_dma source(%dma_start3A_14 : memref<64xi32, #tpu.memory_space<hbm>>) target(%arg6 : memref<64xi32, #tpu.memory_space<vmem>>) target_semaphore(%run_scoped3A : memref<!tpu.dma_semaphore, #tpu.memory_space<semaphore_mem>>)
      %dma_wait3A_15 = tpu.memref_slice %arg3[%mul3A_2] : memref<2048xi32, #tpu.memory_space<hbm>> -> memref<64xi32, #tpu.memory_space<hbm>>
      %dma_wait3A_16 = tpu.memref_slice %arg3[%mul3A_2] : memref<2048xi32, #tpu.memory_space<hbm>> -> memref<64xi32, #tpu.memory_space<hbm>>
      tpu.wait_dma2 semaphore(%run_scoped3A : memref<!tpu.dma_semaphore, #tpu.memory_space<semaphore_mem>>) src(%dma_wait3A_16 : memref<64xi32, #tpu.memory_space<hbm>>) dst(%arg6 : memref<64xi32, #tpu.memory_space<vmem>>)
      tpu.yield
    }) : () -> ()
    "tpu.region"() ({
      %run_scoped3A = tpu.sem_alloc : memref<!tpu.dma_semaphore, #tpu.memory_space<semaphore_mem>>
      %dma_start3A_13 = tpu.memref_slice %arg4[%mul3A_2] : memref<2048xi32, #tpu.memory_space<hbm>> -> memref<64xi32, #tpu.memory_space<hbm>>
      %dma_start3A_14 = tpu.memref_slice %arg4[%mul3A_2] : memref<2048xi32, #tpu.memory_space<hbm>> -> memref<64xi32, #tpu.memory_space<hbm>>
      tpu.enqueue_dma source(%dma_start3A_14 : memref<64xi32, #tpu.memory_space<hbm>>) target(%arg7 : memref<64xi32, #tpu.memory_space<vmem>>) target_semaphore(%run_scoped3A : memref<!tpu.dma_semaphore, #tpu.memory_space<semaphore_mem>>)
      %dma_wait3A_15 = tpu.memref_slice %arg4[%mul3A_2] : memref<2048xi32, #tpu.memory_space<hbm>> -> memref<64xi32, #tpu.memory_space<hbm>>
      %dma_wait3A_16 = tpu.memref_slice %arg4[%mul3A_2] : memref<2048xi32, #tpu.memory_space<hbm>> -> memref<64xi32, #tpu.memory_space<hbm>>
      tpu.wait_dma2 semaphore(%run_scoped3A : memref<!tpu.dma_semaphore, #tpu.memory_space<semaphore_mem>>) src(%dma_wait3A_16 : memref<64xi32, #tpu.memory_space<hbm>>) dst(%arg7 : memref<64xi32, #tpu.memory_space<vmem>>)
      tpu.yield
    }) : () -> ()
    %dma_start3A = arith.constant 0 : i32
    %dma_start3A_3 = arith.constant 0 : i32
    %dma_start3A_4 = tpu.memref_slice %arg2[%dma_start3A, %dma_start3A_3] : memref<6144x768xf32, #tpu.memory_space<hbm>> -> memref<6144x768xf32, #tpu.memory_space<hbm>>
    tpu.enqueue_indirect_dma source(%dma_start3A_4 : memref<6144x768xf32, #tpu.memory_space<hbm>>) target(%arg8 : memref<64x768xf32, #tpu.memory_space<vmem>>) offsets(%arg6 : memref<64xi32, #tpu.memory_space<vmem>>) semaphore(%arg9 : memref<!tpu.dma_semaphore, #tpu.memory_space<semaphore_mem>>)
    %dma_wait3A = arith.constant 0 : i32
    %dma_wait3A_5 = arith.constant 0 : i32
    %dma_wait3A_6 = tpu.memref_slice %arg2[%dma_wait3A, %dma_wait3A_5] : memref<6144x768xf32, #tpu.memory_space<hbm>> -> memref<6144x768xf32, #tpu.memory_space<hbm>>
    tpu.wait_indirect_dma semaphore(%arg9 : memref<!tpu.dma_semaphore, #tpu.memory_space<semaphore_mem>>) src(%dma_wait3A_6 : memref<6144x768xf32, #tpu.memory_space<hbm>>) dst(%arg8 : memref<64x768xf32, #tpu.memory_space<vmem>>)
    %dma_start3A_7 = arith.constant 0 : i32
    %dma_start3A_8 = arith.constant 0 : i32
    %dma_start3A_9 = tpu.memref_slice %arg5[%dma_start3A_7, %dma_start3A_8] : memref<2048x768xf32, #tpu.memory_space<hbm>> -> memref<2048x768xf32, #tpu.memory_space<hbm>>
    tpu.enqueue_indirect_dma source(%arg8 : memref<64x768xf32, #tpu.memory_space<vmem>>) target(%dma_start3A_9 : memref<2048x768xf32, #tpu.memory_space<hbm>>) offsets(%arg7 : memref<64xi32, #tpu.memory_space<vmem>>) semaphore(%arg9 : memref<!tpu.dma_semaphore, #tpu.memory_space<semaphore_mem>>)
    %dma_wait3A_10 = arith.constant 0 : i32
    %dma_wait3A_11 = arith.constant 0 : i32
    %dma_wait3A_12 = tpu.memref_slice %arg5[%dma_wait3A_10, %dma_wait3A_11] : memref<2048x768xf32, #tpu.memory_space<hbm>> -> memref<2048x768xf32, #tpu.memory_space<hbm>>
    tpu.wait_indirect_dma semaphore(%arg9 : memref<!tpu.dma_semaphore, #tpu.memory_space<semaphore_mem>>) src(%arg8 : memref<64x768xf32, #tpu.memory_space<vmem>>) dst(%dma_wait3A_12 : memref<2048x768xf32, #tpu.memory_space<hbm>>)
    return
  }
}

module attributes {stable_mosaic.version = 14 : i64} {
  func.func @_router_body(%arg0: memref<2048x768xf32, #tpu.memory_space<vmem>>, %arg1: memref<768x64xf32, #tpu.memory_space<vmem>>, %arg2: memref<2048x1xi32, #tpu.memory_space<vmem>>) attributes {dimension_semantics = [], scalar_prefetch = 0 : i64, scratch_operands = 0 : i64, tpu.core_type = #tpu.core_type<tc>} {
    %get3A = arith.constant 0 : index
    %get3A_0 = arith.constant 0 : index
    %get3A_1 = vector.load %arg0[%get3A, %get3A_0] : memref<2048x768xf32, #tpu.memory_space<vmem>>, vector<2048x768xf32>
    %get3A_2 = arith.constant 0 : index
    %get3A_3 = arith.constant 0 : index
    %get3A_4 = vector.load %arg1[%get3A_2, %get3A_3] : memref<768x64xf32, #tpu.memory_space<vmem>>, vector<768x64xf32>
    %dot_general3A = arith.constant dense<0.000000e+00> : vector<2048x64xf32>
    %dot_general3A_5 = tpu.matmul %get3A_1, %get3A_4, %dot_general3A {dimension_numbers = #tpu.dot_dimension_numbers<[1], [0], [0], [1], [0, 0, 1, 1], [], []>, transpose_lhs_hint = false} : vector<2048x768xf32>, vector<768x64xf32>, vector<2048x64xf32> -> vector<2048x64xf32>
    %reduce_max3A = arith.constant dense<0xFF800000> : vector<2048xf32>
    %reduce_max3A_6 = vector.multi_reduction <maximumf>, %dot_general3A_5, %reduce_max3A [1] : vector<2048x64xf32> to vector<2048xf32>
    %broadcast_in_dim3A = vector.shape_cast %reduce_max3A_6 : vector<2048xf32> to vector<2048x1xf32>
    %iota3A = tpu.iota {dimensions = array<i32: 1>} : vector<2048x64xi32>
    %eq3A = vector.broadcast %broadcast_in_dim3A : vector<2048x1xf32> to vector<2048x64xf32>
    %eq3A_7 = arith.cmpf oeq, %dot_general3A_5, %eq3A : vector<2048x64xf32>
    %jit3A = arith.constant 64 : i32
    %broadcast_in_dim3A_8 = vector.broadcast %jit3A : i32 to vector<2048x64xi32>
    %select_n3A = arith.select %eq3A_7, %iota3A, %broadcast_in_dim3A_8 : vector<2048x64xi1>, vector<2048x64xi32>
    %reduce_min3A = arith.constant dense<2147483647> : vector<2048xi32>
    %reduce_min3A_9 = vector.multi_reduction <minsi>, %select_n3A, %reduce_min3A [1] : vector<2048x64xi32> to vector<2048xi32>
    %broadcast_in_dim3A_10 = vector.shape_cast %reduce_min3A_9 : vector<2048xi32> to vector<2048x1xi32>
    %swap3A = arith.constant 0 : index
    %swap3A_11 = arith.constant 0 : index
    %swap3A_12 = vector.load %arg2[%swap3A, %swap3A_11] : memref<2048x1xi32, #tpu.memory_space<vmem>>, vector<2048x1xi32>
    tpu.vector_store %arg2[%swap3A, %swap3A_11], %broadcast_in_dim3A_10 {strides = array<i32>} : memref<2048x1xi32, #tpu.memory_space<vmem>>, vector<2048x1xi32>,
    return
  }
}

module attributes {stable_mosaic.version = 14 : i64} {
  func.func @_ff_body(%arg0: i32, %arg1: memref<96xi32, #tpu.memory_space<smem>>, %arg2: memref<1xi32, #tpu.memory_space<smem>>, %arg3: memref<64x768xf32, #tpu.memory_space<vmem>>, %arg4: memref<1x768x512xf32, #tpu.memory_space<vmem>>, %arg5: memref<1x768x512xf32, #tpu.memory_space<vmem>>, %arg6: memref<1x512x768xf32, #tpu.memory_space<vmem>>, %arg7: memref<64x768xf32, #tpu.memory_space<vmem>>) attributes {dimension_semantics = [#tpu.dimension_semantics<arbitrary>], iteration_bounds = array<i64: 96>, scalar_prefetch = 2 : i64, scratch_operands = 0 : i64, tpu.core_type = #tpu.core_type<tc>, window_params = [{transform_indices = @transform_0, window_bounds = array<i64: 64, 768>}, {transform_indices = @transform_1, window_bounds = array<i64: 1, 768, 512>}, {transform_indices = @transform_2, window_bounds = array<i64: 1, 768, 512>}, {transform_indices = @transform_3, window_bounds = array<i64: 1, 512, 768>}, {transform_indices = @transform_4, window_bounds = array<i64: 64, 768>}]} {
    %get3A = arith.constant 0 : index
    %get3A_0 = memref.load %arg2[%get3A] : memref<1xi32, #tpu.memory_space<smem>>
    %lt3A = arith.cmpi slt, %arg0, %get3A_0 : i32
    %convert_element_type3A = arith.extui %lt3A : i1 to i32
    %cond3A = arith.constant 0 : i32
    %cond3A_1 = arith.cmpi ne, %convert_element_type3A, %cond3A : i32
    scf.if %cond3A_1 {
      %get3A_2 = arith.constant 0 : index
      %get3A_3 = arith.constant 0 : index
      %get3A_4 = vector.load %arg3[%get3A_2, %get3A_3] : memref<64x768xf32, #tpu.memory_space<vmem>>, vector<64x768xf32>
      %get3A_5 = arith.constant 0 : index
      %get3A_6 = arith.constant 0 : index
      %get3A_7 = arith.constant 0 : index
      %get3A_8 = vector.load %arg4[%get3A_5, %get3A_6, %get3A_7] : memref<1x768x512xf32, #tpu.memory_space<vmem>>, vector<1x768x512xf32>
      %get3A_9 = vector.shape_cast %get3A_8 : vector<1x768x512xf32> to vector<768x512xf32>
      %dot_general3A = arith.constant dense<0.000000e+00> : vector<64x512xf32>
      %dot_general3A_10 = tpu.matmul %get3A_4, %get3A_9, %dot_general3A {dimension_numbers = #tpu.dot_dimension_numbers<[1], [0], [0], [1], [0, 0, 1, 1], [], []>, transpose_lhs_hint = false} : vector<64x768xf32>, vector<768x512xf32>, vector<64x512xf32> -> vector<64x512xf32>
      %get3A_11 = arith.constant 0 : index
      %get3A_12 = arith.constant 0 : index
      %get3A_13 = arith.constant 0 : index
      %get3A_14 = vector.load %arg5[%get3A_11, %get3A_12, %get3A_13] : memref<1x768x512xf32, #tpu.memory_space<vmem>>, vector<1x768x512xf32>
      %get3A_15 = vector.shape_cast %get3A_14 : vector<1x768x512xf32> to vector<768x512xf32>
      %dot_general3A_16 = arith.constant dense<0.000000e+00> : vector<64x512xf32>
      %dot_general3A_17 = tpu.matmul %get3A_4, %get3A_15, %dot_general3A_16 {dimension_numbers = #tpu.dot_dimension_numbers<[1], [0], [0], [1], [0, 0, 1, 1], [], []>, transpose_lhs_hint = false} : vector<64x768xf32>, vector<768x512xf32>, vector<64x512xf32> -> vector<64x512xf32>
      %logistic3A = arith.negf %dot_general3A_10 : vector<64x512xf32>
      %logistic3A_18 = math.exp %logistic3A : vector<64x512xf32>
      %logistic3A_19 = arith.constant 1.000000e+00 : f32
      %logistic3A_20 = vector.broadcast %logistic3A_19 : f32 to vector<64x512xf32>
      %logistic3A_21 = arith.addf %logistic3A_20, %logistic3A_18 : vector<64x512xf32>
      %logistic3A_22 = arith.divf %logistic3A_20, %logistic3A_21 : vector<64x512xf32>
      %mul3A = arith.mulf %dot_general3A_10, %logistic3A_22 : vector<64x512xf32>
      %mul3A_23 = arith.mulf %mul3A, %dot_general3A_17 : vector<64x512xf32>
      %get3A_24 = arith.constant 0 : index
      %get3A_25 = arith.constant 0 : index
      %get3A_26 = arith.constant 0 : index
      %get3A_27 = vector.load %arg6[%get3A_24, %get3A_25, %get3A_26] : memref<1x512x768xf32, #tpu.memory_space<vmem>>, vector<1x512x768xf32>
      %get3A_28 = vector.shape_cast %get3A_27 : vector<1x512x768xf32> to vector<512x768xf32>
      %dot_general3A_29 = arith.constant dense<0.000000e+00> : vector<64x768xf32>
      %dot_general3A_30 = tpu.matmul %mul3A_23, %get3A_28, %dot_general3A_29 {dimension_numbers = #tpu.dot_dimension_numbers<[1], [0], [0], [1], [0, 0, 1, 1], [], []>, transpose_lhs_hint = false} : vector<64x512xf32>, vector<512x768xf32>, vector<64x768xf32> -> vector<64x768xf32>
      %swap3A = arith.constant 0 : index
      %swap3A_31 = arith.constant 0 : index
      %swap3A_32 = vector.load %arg7[%swap3A, %swap3A_31] : memref<64x768xf32, #tpu.memory_space<vmem>>, vector<64x768xf32>
      tpu.vector_store %arg7[%swap3A, %swap3A_31], %dot_general3A_30 {strides = array<i32>} : memref<64x768xf32, #tpu.memory_space<vmem>>, vector<64x768xf32>,
    } else {
    }
    return
  }
  func.func @transform_0(%arg0: i32, %arg1: memref<96xi32, #tpu.memory_space<smem>>, %arg2: memref<1xi32, #tpu.memory_space<smem>>) -> (i32, i32) {
    %get3A = arith.constant 0 : index
    %get3A_0 = memref.load %arg2[%get3A] : memref<1xi32, #tpu.memory_space<smem>>
    %sub3A = arith.constant 1 : i32
    %sub3A_1 = arith.subi %get3A_0, %sub3A : i32
    %min3A = arith.minsi %arg0, %sub3A_1 : i32
    %c0_i32 = arith.constant 0 : i32
    %c0_i32_2 = arith.constant 0 : i32
    return %min3A, %c0_i32 : i32, i32
  }
  func.func @transform_1(%arg0: i32, %arg1: memref<96xi32, #tpu.memory_space<smem>>, %arg2: memref<1xi32, #tpu.memory_space<smem>>) -> (i32, i32, i32) {
    %get3A = arith.index_cast %arg0 : i32 to index
    %get3A_0 = memref.load %arg1[%get3A] : memref<96xi32, #tpu.memory_space<smem>>
    %c0_i32 = arith.constant 0 : i32
    %c0_i32_1 = arith.constant 0 : i32
    %c0_i32_2 = arith.constant 0 : i32
    return %get3A_0, %c0_i32, %c0_i32_1 : i32, i32, i32
  }
  func.func @transform_2(%arg0: i32, %arg1: memref<96xi32, #tpu.memory_space<smem>>, %arg2: memref<1xi32, #tpu.memory_space<smem>>) -> (i32, i32, i32) {
    %get3A = arith.index_cast %arg0 : i32 to index
    %get3A_0 = memref.load %arg1[%get3A] : memref<96xi32, #tpu.memory_space<smem>>
    %c0_i32 = arith.constant 0 : i32
    %c0_i32_1 = arith.constant 0 : i32
    %c0_i32_2 = arith.constant 0 : i32
    return %get3A_0, %c0_i32, %c0_i32_1 : i32, i32, i32
  }
  func.func @transform_3(%arg0: i32, %arg1: memref<96xi32, #tpu.memory_space<smem>>, %arg2: memref<1xi32, #tpu.memory_space<smem>>) -> (i32, i32, i32) {
    %get3A = arith.index_cast %arg0 : i32 to index
    %get3A_0 = memref.load %arg1[%get3A] : memref<96xi32, #tpu.memory_space<smem>>
    %c0_i32 = arith.constant 0 : i32
    %c0_i32_1 = arith.constant 0 : i32
    %c0_i32_2 = arith.constant 0 : i32
    return %get3A_0, %c0_i32, %c0_i32_1 : i32, i32, i32
  }
  func.func @transform_4(%arg0: i32, %arg1: memref<96xi32, #tpu.memory_space<smem>>, %arg2: memref<1xi32, #tpu.memory_space<smem>>) -> (i32, i32) {
    %get3A = arith.constant 0 : index
    %get3A_0 = memref.load %arg2[%get3A] : memref<1xi32, #tpu.memory_space<smem>>
    %sub3A = arith.constant 1 : i32
    %sub3A_1 = arith.subi %get3A_0, %sub3A : i32
    %min3A = arith.minsi %arg0, %sub3A_1 : i32
    %c0_i32 = arith.constant 0 : i32
    %c0_i32_2 = arith.constant 0 : i32
    return %min3A, %c0_i32 : i32, i32
  }
}

</mosaic_0001>

<sc_bundles>
// kernel: kernel.6.cloned.1.call-start
scs
__scs_entry_jumppad:
0x0: {  	(pc) =	sbr.rel $0x88, $3  }
0x1: {  	(tag) =	ssettag $0x0;
	lr =	simm.s32 $0x1  }
0x2: {  	[smem:$0x3F9C] =	sst lr;
	_ =	strace $0xD0000000  }
0x3: {  	_ = 	snop  }
0x4: {  	_ = 	snop  }
0x5: {  	_ = 	snop  }
0x6: {  	_ = 	snop  }
0x7: {  	_ = 	snop  }
__scs_overlays_trampoline_lowered:
0x8: {  	[smem:$0x3FAB] =	sst s0  }
0x9: {  	[smem:$0x3FAC] =	sst s1  }
0xa: {  	[smem:$0x3FAD] =	sst s2  }
0xb: {  	[smem:$0x3FAE] =	sst s3  }
0xc: {  	[smem:$0x3FAF] =	sst s4  }
0xd: {  	[smem:$0x3FB0] =	sst s5  }
0xe: {  	[smem:$0x3FB1] =	sst s6  }
0xf: {  	[smem:$0x3FB2] =	sst s7  }
0x10: {  	[smem:$0x3FB3] =	sst s8  }
0x11: {  	[smem:$0x3FB4] =	sst s9;
	s0 =	simm.s32 @!p0 $0x0  }
0x12: {  	s1 =	sld [smem:$0x3F9A];
	s0 =	simm.s32 @p0 $0x1  }
0x13: {  	[smem:$0x3FB5] =	sst s0;
	s0 =	simm.s32 @!p1 $0x0  }
0x14: {  	s2 =	sld [smem:$0x3F99];
	s0 =	simm.s32 @p1 $0x1  }
0x15: {  	[smem:$0x3FB6] =	sst s0;
	s0 =	simm.s32 @!p2 $0x0  }
0x16: {  	s3 =	sld [smem:$0x3FDB];
	s0 =	simm.s32 @p2 $0x1  }
0x17: {  	s4 =	simm.s32 $0x1BF5;
	[smem:$0x3FB8] =	sst s0  }
0x18: {  	s0 =	sld [smem:$0x3F9B];
	_ =	swait.ge [sflag:s4], $0x0  }
0x19: {  	s7 =	sld [smem:$0x3F9C]  }
0x1a: {  	s8 =	sadd.s32 $0xFFFFE003, lr  }
0x1b: {  	s9 =	sadd.s32 $0xFFFFFEF7, lr;
	s5 =	simm.s32 $0xFFFFFFFF;
	p2 =	slt.u32 s8, $0xFFFFF086  }
0x1c: {  	p1 =	slt.u32 s9, $0xF7A;
	s5 =	simm.s32 @!p2 $0x0  }
0x1d: {  	s5 =	simm.s32 @p1 $0x1;
	p0 =	seq.s32 s7, s2  }
0x1e: {  	s7 =	smul.u32 @!p0 $0xF7A, s2;
	p2 =	seq.s32 @!p0 s5, $0x0  }
0x1f: {  	s9 =	smul.u32 $0xF7A, s1;
	s8 =	simm.s32 @!p0 $0x1BF5;
	p2 =	por !p2, p0  }
0x20: {  	[sflag:s8] =	ssyncset.s32 @!p0 $0xFFFFF086;
	s6 =	sadd.s32 @!p0 s3, s7;
	s7 =	simm.s32 @!p0 $0x108  }
0x21: {  	s3 =	sadd.s32 s3, s9;
	s6 =	sadd.s32 @!p0 $0x88, s6;
	s7 =	simm.s32 @p2 $0x1082  }
0x22: {  	[simem:s7], [sflag:s8] =	dma.local @!p0 [hbm:s6], $0xF7A  }
0x23: {  	s9 =	sor.u32 $0xD0000000, s2;
	s6 =	simm.s32 $0x108;
	_ =	swait.ge @!p0 [sflag:s8], $0x0  }
0x24: {  	s3 =	sadd.s32 $0x88, s3;
	s6 =	simm.s32 @!p1 $0x1082;
	[sflag:s4] =	ssyncset.s32 $0xFFFFF086  }
0x25: {  	[simem:s6], [sflag:s4] =	dma.local [hbm:s3], $0xF7A  }
0x26: {  	[smem:$0x3F9C] =	sst s1;
	(tag) =	ssettag s2;
	_ =	strace s9  }
0x27: {  	s1 =	sld [smem:$0x3FAC]  }
0x28: {  	s2 =	sld [smem:$0x3FAD]  }
0x29: {  	s4 =	sld [smem:$0x3FAF]  }
0x2a: {  	p0 =	seq.s32 s5, $0x0;
	s5 =	sld [smem:$0x3FB0]  }
0x2b: {  	s6 =	sld [smem:$0x3FB1]  }
0x2c: {  	s7 =	sld [smem:$0x3FB2]  }
0x2d: {  	s3 =	simm.s32 $0x108;
	s8 =	sld [smem:$0x3FB3]  }
0x2e: {  	s3 =	simm.s32 @!p0 $0x1082;
	s9 =	sld [smem:$0x3FB4]  }
0x2f: {  	lr =	sadd.s32 s0, s3;
	s0 =	sld [smem:$0x3FAB]  }
0x30: {  	s3 =	sld [smem:$0x3FAE]  }
0x31: {  	[smem:$0x3FB7] =	sst s10  }
0x32: {  	s10 =	sld [smem:$0x3FB5];
	_ =	sdelay $0x3  }
0x33: {  	p0 =	seq.s32 s10, $0x1;
	s10 =	sld [smem:$0x3FB7];
	_ =	sdelay $0x3  }
0x34: {  	[smem:$0x3FB7] =	sst s10  }
0x35: {  	s10 =	sld [smem:$0x3FB6];
	_ =	sdelay $0x3  }
0x36: {  	p1 =	seq.s32 s10, $0x1;
	s10 =	sld [smem:$0x3FB7];
	_ =	sdelay $0x3  }
0x37: {  	[smem:$0x3FB7] =	sst s10  }
0x38: {  	s10 =	sld [smem:$0x3FB8]  }
0x39: {  	_ = 	snop;
	(pc) =	sbr.ind lr, $3  }
0x3a: {  	_ = 	snop  }
0x3b: {  	_ = 	snop  }
0x3c: {  	p2 =	seq.s32 s10, $0x1;
	s10 =	sld [smem:$0x3FB7]  }
0x3d: {  	_ =	shalt  }
0x3e: {  	_ =	shalt  }
0x3f: {  	_ =	shalt  }
0x40: {  	_ =	shalt  }
0x41: {  	_ =	shalt  }
0x42: {  	_ =	shalt  }
0x43: {  	_ =	shalt  }
0x44: {  	_ =	shalt  }
0x45: {  	_ =	shalt  }
0x46: {  	_ =	shalt  }
0x47: {  	_ =	shalt  }
0x48: {  	_ =	shalt  }
0x49: {  	_ =	shalt  }
0x4a: {  	_ =	shalt  }
0x4b: {  	_ =	shalt  }
0x4c: {  	_ =	shalt  }
0x4d: {  	_ =	shalt  }
0x4e: {  	_ =	shalt  }
0x4f: {  	_ =	shalt  }
0x50: {  	_ =	shalt  }
0x51: {  	_ =	shalt  }
0x52: {  	_ =	shalt  }
0x53: {  	_ =	shalt  }
0x54: {  	_ =	shalt  }
0x55: {  	_ =	shalt  }
0x56: {  	_ =	shalt  }
0x57: {  	_ =	shalt  }
0x58: {  	_ =	shalt  }
0x59: {  	_ =	shalt  }
0x5a: {  	_ =	shalt  }
0x5b: {  	_ =	shalt  }
0x5c: {  	_ =	shalt  }
0x5d: {  	_ =	shalt  }
0x5e: {  	_ =	shalt  }
0x5f: {  	_ =	shalt  }
0x60: {  	_ =	shalt  }
0x61: {  	_ =	shalt  }
0x62: {  	_ =	shalt  }
0x63: {  	_ =	shalt  }
0x64: {  	_ =	shalt  }
0x65: {  	_ =	shalt  }
0x66: {  	_ =	shalt  }
0x67: {  	_ =	shalt  }
0x68: {  	_ =	shalt  }
0x69: {  	_ =	shalt  }
0x6a: {  	_ =	shalt  }
0x6b: {  	_ =	shalt  }
0x6c: {  	_ =	shalt  }
0x6d: {  	_ =	shalt  }
0x6e: {  	_ =	shalt  }
0x6f: {  	_ =	shalt  }
0x70: {  	_ =	shalt  }
0x71: {  	_ =	shalt  }
0x72: {  	_ =	shalt  }
0x73: {  	_ =	shalt  }
0x74: {  	_ =	shalt  }
0x75: {  	_ =	shalt  }
0x76: {  	_ =	shalt  }
0x77: {  	_ =	shalt  }
0x78: {  	_ =	shalt  }
0x79: {  	_ =	shalt  }
0x7a: {  	_ =	shalt  }
0x7b: {  	_ =	shalt  }
0x7c: {  	_ =	shalt  }
0x7d: {  	_ =	shalt  }
0x7e: {  	_ =	shalt  }
0x7f: {  	_ =	shalt  }
0x80: {  	_ =	shalt  }
0x81: {  	_ =	shalt  }
0x82: {  	_ =	shalt  }
0x83: {  	_ =	shalt  }
0x84: {  	_ =	shalt  }
0x85: {  	_ =	shalt  }
0x86: {  	_ =	shalt  }
0x87: {  	_ =	shalt  }
.Lfunc_end0:
.L_simem_size_0:
called_computation_lowered:
.L_overlay_start_0:
0x88: {  	s2 =	sld [smem:$0x3FD9]  }
0x89: {  	s3 =	sld [smem:$0x3FFE];
	_ =	sdelay $0x1  }
0x8a: {  	s1 =	srdreg.scid  }
0x8b: {  	s0 =	sand.u32 $0x1, s1  }
0x8c: {  	s17 =	sshll.u32 s0, $0xA;
	s2 =	sadd.s32 s3, s2  }
0x8d: {  	s2 =	sadd.s32 s2, s17  }
0x8e: {  	[smem:$0x3FC3] =	sst s2  }
0x8f: {  	_ = 	snop  }
0x90: {  	s2 =	sld [smem:$0x3FC9];
	(tm) =	ssettm $0x1  }
0x91: {  	s18 =	sld [smem:$0x3FFB];
	_ =	sdelay $0x3  }
0x92: {  	_ =	strace s18  }
0x93: {  	s3 =	sld [smem:$0x3FFC];
	_ =	sdelay $0x3  }
0x94: {  	_ =	strace s3  }
0x95: {  	s3 =	sld [smem:$0x3FFD];
	_ =	sdelay $0x3  }
0x96: {  	_ =	strace s3  }
0x97: {  	_ =	strace $0x8FFFFFFF  }
0x98: {  	s19 =	sld [smem:$0x3FDB];
	_ =	sdelay $0x1  }
0x99: {  	s4 =	simm.s32 $_scs_section_size  }
0x9a: {  	s5 =	simm.s32 $_size__tile_overlayer_lowered;
	s6 =	simm.s32 $_tile_overlayer_lowered  }
0x9b: {  	s22 =	simm.s32 $0x1BFF;
	s21 =	sshll.u32 s6, $0x1;
	s3 =	sadd.s32 s4, s19  }
0x9c: {  	s7 =	simm.s32 $0x0;
	s20 =	sshll.u32 s5, $0x1;
	s5 =	sadd.s32 s21, s3  }
0x9d: {  	[timem:s7], [sflag:s22] =	dma.local [hbm:s5], s20  }
0x9e: {  	_ =	swait.ge [sflag:s22], s20  }
0x9f: {  	s4 =	ssub.s32 $0x0, s20;
	[sflag:s22] =	ssyncset.done $0x0  }
0xa0: {  	[sflag:s22] =	ssyncadd.s32 s4;
	_ =	sdelay $0x1  }
0xa1: {  	s23 =	simm.s32 $0x1B8B  }
0xa2: {  	_ =	swait.ge [sflag:s23], $0x1  }
0xa3: {  	[sflag:s23] =	ssyncset.done $0x0  }
0xa4: {  	s25 =	simm.s32 $0x1B8E;
	s24 =	sld [smem:$0x3FFE];
	[sflag:s23] =	ssyncadd.s32 $0xFFFFFFFF  }
0xa5: {  	s26 =	simm.s32 $execute0_lowered;
	[smem:$0x3FD2] =	sst s25  }
0xa6: {  	s5 =	sshll.u32 s26, $0x1;
	_ =	strace $0x80000046;
	[dreg:$0x1] =	wrdreg $0xFFFFFFFF  }
0xa7: {  	s28 =	simm.s32 $_size_execute0_lowered;
	s3 =	sadd.s32 s3, s5;
	[dreg:$0x0] =	wrdreg $0x0  }
0xa8: {  	s5 =	sshll.u32 s28, $0x1;
	[dreg:$0x2] =	wrdreg s3  }
0xa9: {  	[dreg:$0x3] =	wrdreg s5  }
0xaa: {  	[dreg:$0x4] =	wrdreg $0xC0  }
0xab: {  	_ =	task [dreg:s7], $0x5FFFF  }
0xac: {  	[dreg:$0x1] =	wrdreg $0xFFFFFFFF  }
0xad: {  	[dreg:$0x0] =	wrdreg $0x60  }
0xae: {  	[dreg:$0x2] =	wrdreg s2  }
0xaf: {  	[dreg:$0x3] =	wrdreg s24  }
0xb0: {  	[dreg:$0x4] =	wrdreg $0x9  }
0xb1: {  	_ =	task.clear_ibuf [dreg:s7], $0x5FFFF;
	_ =	strace $0x90000046  }
0xb2: {  	s29 =	simm.s32 $0x9;
	_ =	strace $0x80000048  }
0xb3: {  	_ =	swait.ge [sflag:s29], $0x1  }
0xb4: {  	[sflag:s29] =	ssyncadd.s32 $0xFFFFFFFF  }
0xb5: {  	_ =	strace $0x90000048  }
0xb6: {  	_ =	sfence  }
0xb7: {  	s30 =	sld [smem:$0x0];
	_ =	sdelay $0x2  }
0xb8: {  	s31 =	sshll.u32 s1, $0xD;
	s1 =	sshrl.u32 s1, $0x2  }
0xb9: {  	s3 =	sand.u32 $0x4000, s31;
	s1 =	sadd.s32 s1, s30  }
0xba: {  	s0 =	sor.u32 s3, s0;
	s1 =	sshll.u32 s1, $0x11  }
0xbb: {  	s0 =	sor.u32 s1, s0  }
0xbc: {  	s0 =	sadd.s32 $0x8F2B, s0  }
0xbd: {  	[sflag:s0] =	ssyncadd.remote.s32 $0x1  }
0xbe: {  	_ =	sfence.sel $0xFFFF  }
0xbf: {  	[dreg:$0x0] =	wrdreg $0xFFFFFFFF;
	(pc) =	sbr.abs _section_cstart, $3  }
0xc0: {  	[dreg:$0x1] =	wrdreg $0xFFFFFFFF  }
0xc1: {  	_ =	task.clear_ibuf [dreg:s7], $0x2FFFF;
	_ =	strace $0x9FFFFFFF  }
0xc2: {  	(tm) =	ssettm $0x7FFFFFFF  }
0xc3: {  	_ =	shalt  }
tec
execute0_lowered:
.L_overlay_start_1:
0x0: {  	(tag) =	ssettag $0x1  }
0x1: {  	s0 =	srdreg.scid  }
0x2: {  	s2 =	rddreg [dreg:$0x0];
	s3 =	stileid.u32  }
0x3: {  	s1 =	rddreg [dreg:$0x1];
	s26 =	simm.s32 $0x80;
	s14 =	simm.s32 $0x1  }
0x4: {  	s17 =	simm.s32 $0x1100;
	s18 =	simm.s32 $0x1900;
	s19 =	simm.s32 $0x2100  }
0x5: {  	s20 =	simm.s32 $0x2900;
	s21 =	simm.s32 $0x3100;
	s22 =	simm.s32 $0x3900  }
0x6: {  	s23 =	simm.s32 $0x4100;
	s24 =	simm.s32 $0x4900;
	s28 =	simm.s32 $0x6100  }
0x7: {  	s29 =	simm.s32 $0x6900;
	s30 =	simm.s32 $0x7100;
	s31 =	simm.s32 $0x7900  }
0x8: {  	s12 =	simm.s32 $0x9900;
	s13 =	simm.s32 $0xA100;
	s11 =	simm.s32 $0xA900  }
0x9: {  	s0 =	sand.u32 $0x1, s0;
	s4 =	sshll.u32 s3, $0x4;
	s3 =	simm.s32 $0x0  }
0xa: {  	s7 =	sadd.s32 $0x200, s2;
	s8 =	sadd.s32 $0x500, s1;
	s9 =	sadd.s32 $0x600, s1  }
0xb: {  	s5 =	sshll.u32 s0, $0x3;
	[smem:$0x7FF] =	sst s3;
	s0 =	ssub.s32 $0x2, s0  }
0xc: {  	s4 =	sor.u32 s5, s4;
	_ =	strace $0x80000047;
	s25 =	sshrl.u32 s0, $0x1  }
0xd: {  	[dreg:$0x4] =	wrdreg s26;
	s26 =	simm.s32 $0x5900;
	s5 =	sadd.s32 s1, s4  }
0xe: {  	v2 =	vlaneseq.u32;
	s0 =	ssub.s32 s0, s25;
	s25 =	simm.s32 $0x5100;
	s4 =	simm.s32 $0x9100  }
0xf: {  	vm0 =	vmmov $0xffff;
	v1 =	vshrl.u32 v2, $0x3;
	[dreg:$0x5] =	wrdreg s5;
	s6 =	sadd.s32 $0x200, s5;
	s5 =	sadd.s32 $0x400, s1  }
0x10: {  	v0 =	vand.u32 $0x7, v2;
	v2 =	vor.u32 $0x8, v2;
	v1 =	vmul.u32 $0x8, v1;
	s10 =	smax.u32 s0, $0x1;
	[dreg:$0x3] =	wrdreg s6;
	s6 =	sadd.s32 $0x100, s2  }
.LBB2_1:
0x11: {  	s15 =	rddreg [dreg:$0x5];
	s0 =	simm.s32 $0x2  }
0x12: {  	[tilespmem:s3], [sflag:$0x2] =	stream.linear.gather [hbm4b:s15+s3], $0x40, $0x38;
	[tilespmem:$0xC100] =	vst v63  }
0x13: {  	_ =	swait.ge [sflag:s0], $0x40  }
0x14: {  	s1 =	rddreg [dreg:$0x3];
	[sflag:s0] =	ssyncset.done $0x0  }
0x15: {  	s16 =	rddreg [dreg:$0x4];
	[sflag:s0] =	ssyncadd.s32 $0xFFFFFFC0  }
0x16: {  	[tilespmem:s16], [sflag:$0x2] =	stream.linear.gather [hbm4b:s1+s3], $0x40, $0x38;
	[tilespmem:$0xC100] =	vst v63  }
0x17: {  	_ =	swait.ge [sflag:s0], $0x40  }
0x18: {  	[sflag:s0] =	ssyncset.done $0x0  }
0x19: {  	[sflag:s0] =	ssyncadd.s32 $0xFFFFFFC0  }
0x1a: {  	v3 =	vld [tilespmem:$0x0];
	_ =	sdelay $0x4  }
0x1b: {  	v4 =	vshrl.u32 v3, $0x3  }
0x1c: {  	v4 =	vmul.u32 $0x30, v4  }
0x1d: {  	v3 =	vand.u32 $0x7, v3  }
0x1e: {  	v3 =	vor.u32 v3, v4  }
0x1f: {  	v4 =	vperm.xlane v3, v0;
	_ =	sdelay $0x1  }
0x20: {  	v4 =	vadd.s32 v1, v4;
	_ =	sdelay $0x3  }
0x21: {  	s15 =	simm.s32 $0x100;
	v3 =	vperm.xlane v3, v2  }
0x22: {  	[tilespmem:s15], [sflag:$0x1] =	stream.indirect_vreg.gather [hbm4b:s2+s3], $0x80, v4, vm0, $0xb8;
	[tilespmem:$0xC100] =	vst v63  }
0x23: {  	s16 =	simm.s32 $0x900;
	v3 =	vadd.s32 v1, v3  }
0x24: {  	[tilespmem:s16], [sflag:$0x1] =	stream.indirect_vreg.gather [hbm4b:s6+s3], $0x80, v4, vm0, $0xb8;
	[tilespmem:$0xC100] =	vst v63  }
0x25: {  	_ = 	snop  }
0x26: {  	[tilespmem:s17], [sflag:$0x1] =	stream.indirect_vreg.gather [hbm4b:s7+s3], $0x80, v4, vm0, $0xb8;
	[tilespmem:$0xC100] =	vst v63  }
0x27: {  	_ = 	snop  }
0x28: {  	[tilespmem:s18], [sflag:$0x1] =	stream.indirect_vreg.gather [hbm4b:s2+s3], $0x80, v3, vm0, $0xb8;
	[tilespmem:$0xC100] =	vst v63  }
0x29: {  	_ = 	snop  }
0x2a: {  	[tilespmem:s19], [sflag:$0x1] =	stream.indirect_vreg.gather [hbm4b:s6+s3], $0x80, v3, vm0, $0xb8;
	[tilespmem:$0xC100] =	vst v63  }
0x2b: {  	_ = 	snop  }
0x2c: {  	[tilespmem:s20], [sflag:$0x1] =	stream.indirect_vreg.gather [hbm4b:s7+s3], $0x80, v3, vm0, $0xb8;
	[tilespmem:$0xC100] =	vst v63  }
0x2d: {  	v3 =	vld [tilespmem:$0x10];
	_ =	sdelay $0x4  }
0x2e: {  	v57 =	vshrl.u32 v3, $0x3  }
0x2f: {  	v4 =	vmul.u32 $0x30, v57  }
0x30: {  	v3 =	vand.u32 $0x7, v3  }
0x31: {  	v3 =	vor.u32 v3, v4  }
0x32: {  	v4 =	vperm.xlane v3, v0;
	_ =	sdelay $0x1  }
0x33: {  	v4 =	vadd.s32 v1, v4;
	_ =	sdelay $0x3  }
0x34: {  	v3 =	vperm.xlane v3, v2  }
0x35: {  	[tilespmem:s21], [sflag:$0x1] =	stream.indirect_vreg.gather [hbm4b:s2+s3], $0x80, v4, vm0, $0xb8;
	[tilespmem:$0xC100] =	vst v63  }
0x36: {  	v3 =	vadd.s32 v1, v3  }
0x37: {  	[tilespmem:s22], [sflag:$0x1] =	stream.indirect_vreg.gather [hbm4b:s6+s3], $0x80, v4, vm0, $0xb8;
	[tilespmem:$0xC100] =	vst v63  }
0x38: {  	_ = 	snop  }
0x39: {  	[tilespmem:s23], [sflag:$0x1] =	stream.indirect_vreg.gather [hbm4b:s7+s3], $0x80, v4, vm0, $0xb8;
	[tilespmem:$0xC100] =	vst v63  }
0x3a: {  	_ = 	snop  }
0x3b: {  	[tilespmem:s24], [sflag:$0x1] =	stream.indirect_vreg.gather [hbm4b:s2+s3], $0x80, v3, vm0, $0xb8;
	[tilespmem:$0xC100] =	vst v63  }
0x3c: {  	_ = 	snop  }
0x3d: {  	[tilespmem:s25], [sflag:$0x1] =	stream.indirect_vreg.gather [hbm4b:s6+s3], $0x80, v3, vm0, $0xb8;
	[tilespmem:$0xC100] =	vst v63  }
0x3e: {  	_ = 	snop  }
0x3f: {  	[tilespmem:s26], [sflag:$0x1] =	stream.indirect_vreg.gather [hbm4b:s7+s3], $0x80, v3, vm0, $0xb8;
	[tilespmem:$0xC100] =	vst v63  }
0x40: {  	v3 =	vld [tilespmem:$0x20];
	_ =	sdelay $0x4  }
0x41: {  	v58 =	vshrl.u32 v3, $0x3  }
0x42: {  	v4 =	vmul.u32 $0x30, v58  }
0x43: {  	v3 =	vand.u32 $0x7, v3  }
0x44: {  	v3 =	vor.u32 v3, v4  }
0x45: {  	v4 =	vperm.xlane v3, v0;
	_ =	sdelay $0x1  }
0x46: {  	v4 =	vadd.s32 v1, v4;
	_ =	sdelay $0x3  }
0x47: {  	v3 =	vperm.xlane v3, v2  }
0x48: {  	[tilespmem:s28], [sflag:$0x1] =	stream.indirect_vreg.gather [hbm4b:s2+s3], $0x80, v4, vm0, $0xb8;
	[tilespmem:$0xC100] =	vst v63  }
0x49: {  	v3 =	vadd.s32 v1, v3  }
0x4a: {  	[tilespmem:s29], [sflag:$0x1] =	stream.indirect_vreg.gather [hbm4b:s6+s3], $0x80, v4, vm0, $0xb8;
	[tilespmem:$0xC100] =	vst v63  }
0x4b: {  	_ = 	snop  }
0x4c: {  	[tilespmem:s30], [sflag:$0x1] =	stream.indirect_vreg.gather [hbm4b:s7+s3], $0x80, v4, vm0, $0xb8;
	[tilespmem:$0xC100] =	vst v63  }
0x4d: {  	_ = 	snop  }
0x4e: {  	[tilespmem:s31], [sflag:$0x1] =	stream.indirect_vreg.gather [hbm4b:s2+s3], $0x80, v3, vm0, $0xb8;
	[tilespmem:$0xC100] =	vst v63  }
0x4f: {  	s1 =	simm.s32 $0x8100  }
0x50: {  	[tilespmem:s1], [sflag:$0x1] =	stream.indirect_vreg.gather [hbm4b:s6+s3], $0x80, v3, vm0, $0xb8;
	[tilespmem:$0xC100] =	vst v63  }
0x51: {  	s0 =	simm.s32 $0x8900  }
0x52: {  	[tilespmem:s0], [sflag:$0x1] =	stream.indirect_vreg.gather [hbm4b:s7+s3], $0x80, v3, vm0, $0xb8;
	[tilespmem:$0xC100] =	vst v63  }
0x53: {  	v3 =	vld [tilespmem:$0x30];
	_ =	sdelay $0x4  }
0x54: {  	v59 =	vshrl.u32 v3, $0x3  }
0x55: {  	v4 =	vmul.u32 $0x30, v59  }
0x56: {  	v3 =	vand.u32 $0x7, v3  }
0x57: {  	v3 =	vor.u32 v3, v4  }
0x58: {  	v4 =	vperm.xlane v3, v0;
	_ =	sdelay $0x1  }
0x59: {  	v4 =	vadd.s32 v1, v4;
	_ =	sdelay $0x3  }
0x5a: {  	v3 =	vperm.xlane v3, v2  }
0x5b: {  	[tilespmem:s4], [sflag:$0x1] =	stream.indirect_vreg.gather [hbm4b:s2+s3], $0x80, v4, vm0, $0xb8;
	[tilespmem:$0xC100] =	vst v63  }
0x5c: {  	v3 =	vadd.s32 v1, v3  }
0x5d: {  	[tilespmem:s12], [sflag:$0x1] =	stream.indirect_vreg.gather [hbm4b:s6+s3], $0x80, v4, vm0, $0xb8;
	[tilespmem:$0xC100] =	vst v63  }
0x5e: {  	_ = 	snop  }
0x5f: {  	[tilespmem:s13], [sflag:$0x1] =	stream.indirect_vreg.gather [hbm4b:s7+s3], $0x80, v4, vm0, $0xb8;
	[tilespmem:$0xC100] =	vst v63  }
0x60: {  	_ = 	snop  }
0x61: {  	[tilespmem:s11], [sflag:$0x1] =	stream.indirect_vreg.gather [hbm4b:s2+s3], $0x80, v3, vm0, $0xb8;
	[tilespmem:$0xC100] =	vst v63  }
0x62: {  	s0 =	simm.s32 $0xB100  }
0x63: {  	[tilespmem:s0], [sflag:$0x1] =	stream.indirect_vreg.gather [hbm4b:s6+s3], $0x80, v3, vm0, $0xb8;
	[tilespmem:$0xC100] =	vst v63  }
0x64: {  	s0 =	simm.s32 $0xB900  }
0x65: {  	[tilespmem:s0], [sflag:$0x1] =	stream.indirect_vreg.gather [hbm4b:s7+s3], $0x80, v3, vm0, $0xb8;
	[tilespmem:$0xC100] =	vst v63  }
0x66: {  	_ =	swait.ge [sflag:s14], $0xC000  }
0x67: {  	[sflag:s14] =	ssyncset.done $0x0  }
0x68: {  	[sflag:s14] =	ssyncadd.s32 $0xFFFF4000  }
0x69: {  	v3 =	vld [tilespmem:$0x80];
	_ =	sdelay $0x4  }
0x6a: {  	v60 =	vshrl.u32 v3, $0x3  }
0x6b: {  	v4 =	vmul.u32 $0x30, v60  }
0x6c: {  	v3 =	vand.u32 $0x7, v3  }
0x6d: {  	v3 =	vor.u32 v3, v4  }
0x6e: {  	v4 =	vperm.xlane v3, v0;
	_ =	sdelay $0x1  }
0x6f: {  	v4 =	vadd.s32 v1, v4;
	_ =	sdelay $0x3  }
0x70: {  	v3 =	vperm.xlane v3, v2  }
0x71: {  	[hbm4b:s5+s3] =	stream.indirect_vreg.scatter [tilespmem:s15], [sflag:$0x1], $0x80, v4, vm0, $0xb8;
	[tilespmem:$0xC100] =	vst v63  }
0x72: {  	v3 =	vadd.s32 v1, v3  }
0x73: {  	[hbm4b:s8+s3] =	stream.indirect_vreg.scatter [tilespmem:s16], [sflag:$0x1], $0x80, v4, vm0, $0xb8;
	[tilespmem:$0xC100] =	vst v63  }
0x74: {  	_ = 	snop  }
0x75: {  	[hbm4b:s9+s3] =	stream.indirect_vreg.scatter [tilespmem:s17], [sflag:$0x1], $0x80, v4, vm0, $0xb8;
	[tilespmem:$0xC100] =	vst v63  }
0x76: {  	_ = 	snop  }
0x77: {  	[hbm4b:s5+s3] =	stream.indirect_vreg.scatter [tilespmem:s18], [sflag:$0x1], $0x80, v3, vm0, $0xb8;
	[tilespmem:$0xC100] =	vst v63  }
0x78: {  	_ = 	snop  }
0x79: {  	[hbm4b:s8+s3] =	stream.indirect_vreg.scatter [tilespmem:s19], [sflag:$0x1], $0x80, v3, vm0, $0xb8;
	[tilespmem:$0xC100] =	vst v63  }
0x7a: {  	_ = 	snop  }
0x7b: {  	[hbm4b:s9+s3] =	stream.indirect_vreg.scatter [tilespmem:s20], [sflag:$0x1], $0x80, v3, vm0, $0xb8;
	[tilespmem:$0xC100] =	vst v63  }
0x7c: {  	v3 =	vld [tilespmem:$0x90];
	_ =	sdelay $0x4  }
0x7d: {  	v61 =	vshrl.u32 v3, $0x3  }
0x7e: {  	v4 =	vmul.u32 $0x30, v61  }
0x7f: {  	v3 =	vand.u32 $0x7, v3  }
0x80: {  	v3 =	vor.u32 v3, v4  }
0x81: {  	v4 =	vperm.xlane v3, v0;
	_ =	sdelay $0x1  }
0x82: {  	v4 =	vadd.s32 v1, v4;
	_ =	sdelay $0x3  }
0x83: {  	v3 =	vperm.xlane v3, v2  }
0x84: {  	[hbm4b:s5+s3] =	stream.indirect_vreg.scatter [tilespmem:s21], [sflag:$0x1], $0x80, v4, vm0, $0xb8;
	[tilespmem:$0xC100] =	vst v63  }
0x85: {  	v3 =	vadd.s32 v1, v3  }
0x86: {  	[hbm4b:s8+s3] =	stream.indirect_vreg.scatter [tilespmem:s22], [sflag:$0x1], $0x80, v4, vm0, $0xb8;
	[tilespmem:$0xC100] =	vst v63  }
0x87: {  	_ = 	snop  }
0x88: {  	[hbm4b:s9+s3] =	stream.indirect_vreg.scatter [tilespmem:s23], [sflag:$0x1], $0x80, v4, vm0, $0xb8;
	[tilespmem:$0xC100] =	vst v63  }
0x89: {  	_ = 	snop  }
0x8a: {  	[hbm4b:s5+s3] =	stream.indirect_vreg.scatter [tilespmem:s24], [sflag:$0x1], $0x80, v3, vm0, $0xb8;
	[tilespmem:$0xC100] =	vst v63  }
0x8b: {  	_ = 	snop  }
0x8c: {  	[hbm4b:s8+s3] =	stream.indirect_vreg.scatter [tilespmem:s25], [sflag:$0x1], $0x80, v3, vm0, $0xb8;
	[tilespmem:$0xC100] =	vst v63  }
0x8d: {  	_ = 	snop  }
0x8e: {  	[hbm4b:s9+s3] =	stream.indirect_vreg.scatter [tilespmem:s26], [sflag:$0x1], $0x80, v3, vm0, $0xb8;
	[tilespmem:$0xC100] =	vst v63  }
0x8f: {  	v3 =	vld [tilespmem:$0xA0];
	_ =	sdelay $0x4  }
0x90: {  	v62 =	vshrl.u32 v3, $0x3  }
0x91: {  	v4 =	vmul.u32 $0x30, v62  }
0x92: {  	v3 =	vand.u32 $0x7, v3  }
0x93: {  	v3 =	vor.u32 v3, v4  }
0x94: {  	v4 =	vperm.xlane v3, v0;
	_ =	sdelay $0x1  }
0x95: {  	v4 =	vadd.s32 v1, v4;
	_ =	sdelay $0x3  }
0x96: {  	v3 =	vperm.xlane v3, v2  }
0x97: {  	[hbm4b:s5+s3] =	stream.indirect_vreg.scatter [tilespmem:s28], [sflag:$0x1], $0x80, v4, vm0, $0xb8;
	[tilespmem:$0xC100] =	vst v63  }
0x98: {  	v3 =	vadd.s32 v1, v3  }
0x99: {  	[hbm4b:s8+s3] =	stream.indirect_vreg.scatter [tilespmem:s29], [sflag:$0x1], $0x80, v4, vm0, $0xb8;
	[tilespmem:$0xC100] =	vst v63  }
0x9a: {  	_ = 	snop  }
0x9b: {  	[hbm4b:s9+s3] =	stream.indirect_vreg.scatter [tilespmem:s30], [sflag:$0x1], $0x80, v4, vm0, $0xb8;
	[tilespmem:$0xC100] =	vst v63  }
0x9c: {  	_ = 	snop  }
0x9d: {  	[hbm4b:s5+s3] =	stream.indirect_vreg.scatter [tilespmem:s31], [sflag:$0x1], $0x80, v3, vm0, $0xb8;
	[tilespmem:$0xC100] =	vst v63  }
0x9e: {  	_ = 	snop  }
0x9f: {  	[hbm4b:s8+s3] =	stream.indirect_vreg.scatter [tilespmem:s1], [sflag:$0x1], $0x80, v3, vm0, $0xb8;
	[tilespmem:$0xC100] =	vst v63  }
0xa0: {  	s15 =	simm.s32 $0x8900  }
0xa1: {  	[hbm4b:s9+s3] =	stream.indirect_vreg.scatter [tilespmem:s15], [sflag:$0x1], $0x80, v3, vm0, $0xb8;
	[tilespmem:$0xC100] =	vst v63  }
0xa2: {  	v3 =	vld [tilespmem:$0xB0];
	_ =	sdelay $0x4  }
0xa3: {  	v63 =	vshrl.u32 v3, $0x3  }
0xa4: {  	v4 =	vmul.u32 $0x30, v63  }
0xa5: {  	v3 =	vand.u32 $0x7, v3  }
0xa6: {  	v3 =	vor.u32 v3, v4  }
0xa7: {  	v4 =	vperm.xlane v3, v0;
	_ =	sdelay $0x1  }
0xa8: {  	v4 =	vadd.s32 v1, v4;
	_ =	sdelay $0x3  }
0xa9: {  	v3 =	vperm.xlane v3, v2  }
0xaa: {  	[hbm4b:s5+s3] =	stream.indirect_vreg.scatter [tilespmem:s4], [sflag:$0x1], $0x80, v4, vm0, $0xb8;
	[tilespmem:$0xC100] =	vst v63  }
0xab: {  	v3 =	vadd.s32 v1, v3  }
0xac: {  	[hbm4b:s8+s3] =	stream.indirect_vreg.scatter [tilespmem:s12], [sflag:$0x1], $0x80, v4, vm0, $0xb8;
	[tilespmem:$0xC100] =	vst v63  }
0xad: {  	_ = 	snop  }
0xae: {  	[hbm4b:s9+s3] =	stream.indirect_vreg.scatter [tilespmem:s13], [sflag:$0x1], $0x80, v4, vm0, $0xb8;
	[tilespmem:$0xC100] =	vst v63  }
0xaf: {  	_ = 	snop  }
0xb0: {  	[hbm4b:s5+s3] =	stream.indirect_vreg.scatter [tilespmem:s11], [sflag:$0x1], $0x80, v3, vm0, $0xb8;
	[tilespmem:$0xC100] =	vst v63  }
0xb1: {  	p0 =	sne.s32 s10, $0x1;
	s16 =	simm.s32 $0xB100  }
0xb2: {  	[hbm4b:s8+s3] =	stream.indirect_vreg.scatter [tilespmem:s16], [sflag:$0x1], $0x80, v3, vm0, $0xb8;
	[tilespmem:$0xC100] =	vst v63  }
.Ltmp0:
0xb3: {  	s0 =	simm.s32 $0xB900;
	(pc) =	sbr.rel @p0 .LBB2_1-.Ltmp0, $4  }
0xb4: {  	[hbm4b:s9+s3] =	stream.indirect_vreg.scatter [tilespmem:s0], [sflag:$0x1], $0x80, v3, vm0, $0xb8;
	[tilespmem:$0xC100] =	vst v63  }
0xb5: {  	_ =	swait.ge [sflag:s14], $0xC000  }
0xb6: {  	[sflag:s14] =	ssyncset.done $0x0  }
0xb7: {  	s10 =	sadd.s32 $0xFFFFFFFF, s10;
	[sflag:s14] =	ssyncadd.s32 $0xFFFF4000  }
0xb8: {  	_ =	sfence.sel $0x180000  }
0xb9: {  	[bflag:$0x0] =	sbarrier.arrive $0xFFFF  }
0xba: {  	_ =	strace $0x90000047  }
0xbb: {  	s0 =	stileid.u32;
	[bflag:$0x2] =	sbarrier.arrive $0xFFFF  }
0xbc: {  	p0 =	sne.s32 s0, $0x0;
	s0 =	rddreg [dreg:$0x2]  }
0xbd: {  	s0 =	sadd.s32 @!p0 $0x100000, s0  }
0xbe: {  	[sflag:s0] =	ssyncadd.tile.s32 @!p0 $0x1;
	_ =	shalt  }
.Lfunc_end2:
_tile_overlayer_lowered:
.L_overlay_start_2:
0xbf: {  	(tag) =	ssettag $0x2  }
0xc0: {  	s0 =	rddreg [dreg:$0x0];
	s2 =	stileid.u32  }
0xc1: {  	s1 =	rddreg [dreg:$0x1];
	p0 =	sne.s32 s2, $0x0  }
0xc2: {  	s3 =	rddreg [dreg:$0x2];
	[bflag:$0x3] =	sbarrier.arrive $0xFFFF;
	s2 =	simm.s32 @!p0 $0x1C02  }
0xc3: {  	[timem:s3], [sflag:s2] =	dma.local @!p0 [hbm:s0], s1  }
0xc4: {  	s0 =	simm.s32 @!p0 $0x2  }
0xc5: {  	_ =	swait.ge @!p0 [sflag:s0], s1  }
0xc6: {  	s1 =	ssub.s32 @!p0 $0x0, s1;
	[sflag:s0] =	ssyncset.done @!p0 $0x0  }
0xc7: {  	[sflag:s0] =	ssyncadd.s32 @!p0 s1  }
0xc8: {  	[bflag:$0x3] =	sbarrier.arrive $0xFFFF  }
0xc9: {  	_ =	shalt  }

// kernel: kernel.9.cloned.1.call-start
scs
__scs_entry_jumppad:
0x0: {  	(pc) =	sbr.rel $0x88, $3  }
0x1: {  	(tag) =	ssettag $0x0;
	lr =	simm.s32 $0x1  }
0x2: {  	[smem:$0x3F9C] =	sst lr;
	_ =	strace $0xD0000000  }
0x3: {  	_ = 	snop  }
0x4: {  	_ = 	snop  }
0x5: {  	_ = 	snop  }
0x6: {  	_ = 	snop  }
0x7: {  	_ = 	snop  }
__scs_overlays_trampoline_lowered:
0x8: {  	[smem:$0x3FAB] =	sst s0  }
0x9: {  	[smem:$0x3FAC] =	sst s1  }
0xa: {  	[smem:$0x3FAD] =	sst s2  }
0xb: {  	[smem:$0x3FAE] =	sst s3  }
0xc: {  	[smem:$0x3FAF] =	sst s4  }
0xd: {  	[smem:$0x3FB0] =	sst s5  }
0xe: {  	[smem:$0x3FB1] =	sst s6  }
0xf: {  	[smem:$0x3FB2] =	sst s7  }
0x10: {  	[smem:$0x3FB3] =	sst s8  }
0x11: {  	[smem:$0x3FB4] =	sst s9;
	s0 =	simm.s32 @!p0 $0x0  }
0x12: {  	s1 =	sld [smem:$0x3F9A];
	s0 =	simm.s32 @p0 $0x1  }
0x13: {  	[smem:$0x3FB5] =	sst s0;
	s0 =	simm.s32 @!p1 $0x0  }
0x14: {  	s2 =	sld [smem:$0x3F99];
	s0 =	simm.s32 @p1 $0x1  }
0x15: {  	[smem:$0x3FB6] =	sst s0;
	s0 =	simm.s32 @!p2 $0x0  }
0x16: {  	s3 =	sld [smem:$0x3FDB];
	s0 =	simm.s32 @p2 $0x1  }
0x17: {  	s4 =	simm.s32 $0x1BF5;
	[smem:$0x3FB8] =	sst s0  }
0x18: {  	s0 =	sld [smem:$0x3F9B];
	_ =	swait.ge [sflag:s4], $0x0  }
0x19: {  	s7 =	sld [smem:$0x3F9C]  }
0x1a: {  	s8 =	sadd.s32 $0xFFFFE003, lr  }
0x1b: {  	s9 =	sadd.s32 $0xFFFFFEF7, lr;
	s5 =	simm.s32 $0xFFFFFFFF;
	p2 =	slt.u32 s8, $0xFFFFF086  }
0x1c: {  	p1 =	slt.u32 s9, $0xF7A;
	s5 =	simm.s32 @!p2 $0x0  }
0x1d: {  	s5 =	simm.s32 @p1 $0x1;
	p0 =	seq.s32 s7, s2  }
0x1e: {  	s7 =	smul.u32 @!p0 $0xF7A, s2;
	p2 =	seq.s32 @!p0 s5, $0x0  }
0x1f: {  	s9 =	smul.u32 $0xF7A, s1;
	s8 =	simm.s32 @!p0 $0x1BF5;
	p2 =	por !p2, p0  }
0x20: {  	[sflag:s8] =	ssyncset.s32 @!p0 $0xFFFFF086;
	s6 =	sadd.s32 @!p0 s3, s7;
	s7 =	simm.s32 @!p0 $0x108  }
0x21: {  	s3 =	sadd.s32 s3, s9;
	s6 =	sadd.s32 @!p0 $0x88, s6;
	s7 =	simm.s32 @p2 $0x1082  }
0x22: {  	[simem:s7], [sflag:s8] =	dma.local @!p0 [hbm:s6], $0xF7A  }
0x23: {  	s9 =	sor.u32 $0xD0000000, s2;
	s6 =	simm.s32 $0x108;
	_ =	swait.ge @!p0 [sflag:s8], $0x0  }
0x24: {  	s3 =	sadd.s32 $0x88, s3;
	s6 =	simm.s32 @!p1 $0x1082;
	[sflag:s4] =	ssyncset.s32 $0xFFFFF086  }
0x25: {  	[simem:s6], [sflag:s4] =	dma.local [hbm:s3], $0xF7A  }
0x26: {  	[smem:$0x3F9C] =	sst s1;
	(tag) =	ssettag s2;
	_ =	strace s9  }
0x27: {  	s1 =	sld [smem:$0x3FAC]  }
0x28: {  	s2 =	sld [smem:$0x3FAD]  }
0x29: {  	s4 =	sld [smem:$0x3FAF]  }
0x2a: {  	p0 =	seq.s32 s5, $0x0;
	s5 =	sld [smem:$0x3FB0]  }
0x2b: {  	s6 =	sld [smem:$0x3FB1]  }
0x2c: {  	s7 =	sld [smem:$0x3FB2]  }
0x2d: {  	s3 =	simm.s32 $0x108;
	s8 =	sld [smem:$0x3FB3]  }
0x2e: {  	s3 =	simm.s32 @!p0 $0x1082;
	s9 =	sld [smem:$0x3FB4]  }
0x2f: {  	lr =	sadd.s32 s0, s3;
	s0 =	sld [smem:$0x3FAB]  }
0x30: {  	s3 =	sld [smem:$0x3FAE]  }
0x31: {  	[smem:$0x3FB7] =	sst s10  }
0x32: {  	s10 =	sld [smem:$0x3FB5];
	_ =	sdelay $0x3  }
0x33: {  	p0 =	seq.s32 s10, $0x1;
	s10 =	sld [smem:$0x3FB7];
	_ =	sdelay $0x3  }
0x34: {  	[smem:$0x3FB7] =	sst s10  }
0x35: {  	s10 =	sld [smem:$0x3FB6];
	_ =	sdelay $0x3  }
0x36: {  	p1 =	seq.s32 s10, $0x1;
	s10 =	sld [smem:$0x3FB7];
	_ =	sdelay $0x3  }
0x37: {  	[smem:$0x3FB7] =	sst s10  }
0x38: {  	s10 =	sld [smem:$0x3FB8]  }
0x39: {  	_ = 	snop;
	(pc) =	sbr.ind lr, $3  }
0x3a: {  	_ = 	snop  }
0x3b: {  	_ = 	snop  }
0x3c: {  	p2 =	seq.s32 s10, $0x1;
	s10 =	sld [smem:$0x3FB7]  }
0x3d: {  	_ =	shalt  }
0x3e: {  	_ =	shalt  }
0x3f: {  	_ =	shalt  }
0x40: {  	_ =	shalt  }
0x41: {  	_ =	shalt  }
0x42: {  	_ =	shalt  }
0x43: {  	_ =	shalt  }
0x44: {  	_ =	shalt  }
0x45: {  	_ =	shalt  }
0x46: {  	_ =	shalt  }
0x47: {  	_ =	shalt  }
0x48: {  	_ =	shalt  }
0x49: {  	_ =	shalt  }
0x4a: {  	_ =	shalt  }
0x4b: {  	_ =	shalt  }
0x4c: {  	_ =	shalt  }
0x4d: {  	_ =	shalt  }
0x4e: {  	_ =	shalt  }
0x4f: {  	_ =	shalt  }
0x50: {  	_ =	shalt  }
0x51: {  	_ =	shalt  }
0x52: {  	_ =	shalt  }
0x53: {  	_ =	shalt  }
0x54: {  	_ =	shalt  }
0x55: {  	_ =	shalt  }
0x56: {  	_ =	shalt  }
0x57: {  	_ =	shalt  }
0x58: {  	_ =	shalt  }
0x59: {  	_ =	shalt  }
0x5a: {  	_ =	shalt  }
0x5b: {  	_ =	shalt  }
0x5c: {  	_ =	shalt  }
0x5d: {  	_ =	shalt  }
0x5e: {  	_ =	shalt  }
0x5f: {  	_ =	shalt  }
0x60: {  	_ =	shalt  }
0x61: {  	_ =	shalt  }
0x62: {  	_ =	shalt  }
0x63: {  	_ =	shalt  }
0x64: {  	_ =	shalt  }
0x65: {  	_ =	shalt  }
0x66: {  	_ =	shalt  }
0x67: {  	_ =	shalt  }
0x68: {  	_ =	shalt  }
0x69: {  	_ =	shalt  }
0x6a: {  	_ =	shalt  }
0x6b: {  	_ =	shalt  }
0x6c: {  	_ =	shalt  }
0x6d: {  	_ =	shalt  }
0x6e: {  	_ =	shalt  }
0x6f: {  	_ =	shalt  }
0x70: {  	_ =	shalt  }
0x71: {  	_ =	shalt  }
0x72: {  	_ =	shalt  }
0x73: {  	_ =	shalt  }
0x74: {  	_ =	shalt  }
0x75: {  	_ =	shalt  }
0x76: {  	_ =	shalt  }
0x77: {  	_ =	shalt  }
0x78: {  	_ =	shalt  }
0x79: {  	_ =	shalt  }
0x7a: {  	_ =	shalt  }
0x7b: {  	_ =	shalt  }
0x7c: {  	_ =	shalt  }
0x7d: {  	_ =	shalt  }
0x7e: {  	_ =	shalt  }
0x7f: {  	_ =	shalt  }
0x80: {  	_ =	shalt  }
0x81: {  	_ =	shalt  }
0x82: {  	_ =	shalt  }
0x83: {  	_ =	shalt  }
0x84: {  	_ =	shalt  }
0x85: {  	_ =	shalt  }
0x86: {  	_ =	shalt  }
0x87: {  	_ =	shalt  }
.Lfunc_end0:
.L_simem_size_0:
called_computation.1_lowered:
.L_overlay_start_0:
0x88: {  	s2 =	sld [smem:$0x3FD9]  }
0x89: {  	s3 =	sld [smem:$0x3FFE];
	_ =	sdelay $0x1  }
0x8a: {  	s1 =	srdreg.scid  }
0x8b: {  	s0 =	sand.u32 $0x1, s1  }
0x8c: {  	s17 =	sshll.u32 s0, $0xA;
	s2 =	sadd.s32 s3, s2  }
0x8d: {  	s2 =	sadd.s32 s2, s17  }
0x8e: {  	[smem:$0x3FC3] =	sst s2  }
0x8f: {  	_ = 	snop  }
0x90: {  	s2 =	sld [smem:$0x3FD0];
	(tm) =	ssettm $0x1  }
0x91: {  	s18 =	sld [smem:$0x3FFB];
	_ =	sdelay $0x3  }
0x92: {  	_ =	strace s18  }
0x93: {  	s3 =	sld [smem:$0x3FFC];
	_ =	sdelay $0x3  }
0x94: {  	_ =	strace s3  }
0x95: {  	s3 =	sld [smem:$0x3FFD];
	_ =	sdelay $0x3  }
0x96: {  	_ =	strace s3  }
0x97: {  	_ =	strace $0x8FFFFFFF  }
0x98: {  	s19 =	sld [smem:$0x3FDB];
	_ =	sdelay $0x1  }
0x99: {  	s4 =	simm.s32 $_scs_section_size  }
0x9a: {  	s5 =	simm.s32 $_size__tile_overlayer_lowered;
	s6 =	simm.s32 $_tile_overlayer_lowered  }
0x9b: {  	s22 =	simm.s32 $0x1BFF;
	s21 =	sshll.u32 s6, $0x1;
	s3 =	sadd.s32 s4, s19  }
0x9c: {  	s7 =	simm.s32 $0x0;
	s20 =	sshll.u32 s5, $0x1;
	s5 =	sadd.s32 s21, s3  }
0x9d: {  	[timem:s7], [sflag:s22] =	dma.local [hbm:s5], s20  }
0x9e: {  	_ =	swait.ge [sflag:s22], s20  }
0x9f: {  	s4 =	ssub.s32 $0x0, s20;
	[sflag:s22] =	ssyncset.done $0x0  }
0xa0: {  	[sflag:s22] =	ssyncadd.s32 s4;
	_ =	sdelay $0x1  }
0xa1: {  	s23 =	simm.s32 $0x1B8B  }
0xa2: {  	_ =	swait.ge [sflag:s23], $0x1  }
0xa3: {  	[sflag:s23] =	ssyncset.done $0x0  }
0xa4: {  	s25 =	simm.s32 $0x1B8E;
	s24 =	sld [smem:$0x3FFE];
	[sflag:s23] =	ssyncadd.s32 $0xFFFFFFFF  }
0xa5: {  	s26 =	simm.s32 $execute0_lowered;
	[smem:$0x3FD2] =	sst s25  }
0xa6: {  	s5 =	sshll.u32 s26, $0x1;
	_ =	strace $0x80000049;
	[dreg:$0x1] =	wrdreg $0xFFFFFFFF  }
0xa7: {  	s28 =	simm.s32 $_size_execute0_lowered;
	s3 =	sadd.s32 s3, s5;
	[dreg:$0x0] =	wrdreg $0x0  }
0xa8: {  	s5 =	sshll.u32 s28, $0x1;
	[dreg:$0x2] =	wrdreg s3  }
0xa9: {  	[dreg:$0x3] =	wrdreg s5  }
0xaa: {  	[dreg:$0x4] =	wrdreg $0xC0  }
0xab: {  	_ =	task [dreg:s7], $0x5FFFF  }
0xac: {  	[dreg:$0x1] =	wrdreg $0xFFFFFFFF  }
0xad: {  	[dreg:$0x0] =	wrdreg $0x60  }
0xae: {  	[dreg:$0x2] =	wrdreg s24  }
0xaf: {  	[dreg:$0x3] =	wrdreg s2  }
0xb0: {  	[dreg:$0x4] =	wrdreg $0x9  }
0xb1: {  	_ =	task.clear_ibuf [dreg:s7], $0x5FFFF;
	_ =	strace $0x90000049  }
0xb2: {  	s29 =	simm.s32 $0x9;
	_ =	strace $0x8000004B  }
0xb3: {  	_ =	swait.ge [sflag:s29], $0x1  }
0xb4: {  	[sflag:s29] =	ssyncadd.s32 $0xFFFFFFFF  }
0xb5: {  	_ =	strace $0x9000004B  }
0xb6: {  	_ =	sfence  }
0xb7: {  	s30 =	sld [smem:$0x0];
	_ =	sdelay $0x2  }
0xb8: {  	s31 =	sshll.u32 s1, $0xD;
	s1 =	sshrl.u32 s1, $0x2  }
0xb9: {  	s3 =	sand.u32 $0x4000, s31;
	s1 =	sadd.s32 s1, s30  }
0xba: {  	s0 =	sor.u32 s3, s0;
	s1 =	sshll.u32 s1, $0x11  }
0xbb: {  	s0 =	sor.u32 s1, s0  }
0xbc: {  	s0 =	sadd.s32 $0x8F2B, s0  }
0xbd: {  	[sflag:s0] =	ssyncadd.remote.s32 $0x1  }
0xbe: {  	_ =	sfence.sel $0xFFFF  }
0xbf: {  	[dreg:$0x0] =	wrdreg $0xFFFFFFFF;
	(pc) =	sbr.abs _section_cstart, $3  }
0xc0: {  	[dreg:$0x1] =	wrdreg $0xFFFFFFFF  }
0xc1: {  	_ =	task.clear_ibuf [dreg:s7], $0x2FFFF;
	_ =	strace $0x9FFFFFFF  }
0xc2: {  	(tm) =	ssettm $0x7FFFFFFF  }
0xc3: {  	_ =	shalt  }
tec
execute0_lowered:
.L_overlay_start_1:
0x0: {  	(tag) =	ssettag $0x1  }
0x1: {  	s0 =	srdreg.scid  }
0x2: {  	s1 =	rddreg [dreg:$0x0];
	s3 =	stileid.u32  }
0x3: {  	s2 =	rddreg [dreg:$0x1];
	s26 =	simm.s32 $0x80;
	s14 =	simm.s32 $0x1  }
0x4: {  	s17 =	simm.s32 $0x1100;
	s18 =	simm.s32 $0x1900;
	s19 =	simm.s32 $0x2100  }
0x5: {  	s20 =	simm.s32 $0x2900;
	s21 =	simm.s32 $0x3100;
	s22 =	simm.s32 $0x3900  }
0x6: {  	s23 =	simm.s32 $0x4100;
	s24 =	simm.s32 $0x4900;
	s28 =	simm.s32 $0x6100  }
0x7: {  	s29 =	simm.s32 $0x6900;
	s30 =	simm.s32 $0x7100;
	s31 =	simm.s32 $0x7900  }
0x8: {  	s12 =	simm.s32 $0x9900;
	s13 =	simm.s32 $0xA100;
	s11 =	simm.s32 $0xA900  }
0x9: {  	s0 =	sand.u32 $0x1, s0;
	s4 =	sshll.u32 s3, $0x4;
	s3 =	simm.s32 $0x0  }
0xa: {  	s7 =	sadd.s32 $0x600, s1;
	s8 =	sadd.s32 $0x100, s2;
	s9 =	sadd.s32 $0x200, s2  }
0xb: {  	s5 =	sshll.u32 s0, $0x3;
	[smem:$0x7FF] =	sst s3;
	s0 =	ssub.s32 $0x2, s0  }
0xc: {  	s4 =	sor.u32 s5, s4;
	_ =	strace $0x8000004A;
	s25 =	sshrl.u32 s0, $0x1  }
0xd: {  	[dreg:$0x4] =	wrdreg s26;
	s26 =	simm.s32 $0x5900;
	s5 =	sadd.s32 s1, s4  }
0xe: {  	v2 =	vlaneseq.u32;
	s0 =	ssub.s32 s0, s25;
	s25 =	simm.s32 $0x5100;
	s4 =	simm.s32 $0x9100  }
0xf: {  	vm0 =	vmmov $0xffff;
	v1 =	vshrl.u32 v2, $0x3;
	[dreg:$0x5] =	wrdreg s5;
	s6 =	sadd.s32 $0x200, s5;
	s5 =	sadd.s32 $0x400, s1  }
0x10: {  	v0 =	vand.u32 $0x7, v2;
	v2 =	vor.u32 $0x8, v2;
	v1 =	vmul.u32 $0x8, v1;
	s10 =	smax.u32 s0, $0x1;
	[dreg:$0x3] =	wrdreg s6;
	s6 =	sadd.s32 $0x500, s1  }
.LBB2_1:
0x11: {  	s15 =	rddreg [dreg:$0x3];
	s0 =	simm.s32 $0x2  }
0x12: {  	[tilespmem:s3], [sflag:$0x2] =	stream.linear.gather [hbm4b:s15+s3], $0x40, $0x38;
	[tilespmem:$0xC100] =	vst v63  }
0x13: {  	_ =	swait.ge [sflag:s0], $0x40  }
0x14: {  	s1 =	rddreg [dreg:$0x4];
	[sflag:s0] =	ssyncset.done $0x0  }
0x15: {  	s16 =	rddreg [dreg:$0x5];
	[sflag:s0] =	ssyncadd.s32 $0xFFFFFFC0  }
0x16: {  	[tilespmem:s1], [sflag:$0x2] =	stream.linear.gather [hbm4b:s16+s3], $0x40, $0x38;
	[tilespmem:$0xC100] =	vst v63  }
0x17: {  	_ =	swait.ge [sflag:s0], $0x40  }
0x18: {  	[sflag:s0] =	ssyncset.done $0x0  }
0x19: {  	[sflag:s0] =	ssyncadd.s32 $0xFFFFFFC0  }
0x1a: {  	v3 =	vld [tilespmem:$0x0];
	_ =	sdelay $0x4  }
0x1b: {  	v4 =	vshrl.u32 v3, $0x3  }
0x1c: {  	v4 =	vmul.u32 $0x30, v4  }
0x1d: {  	v3 =	vand.u32 $0x7, v3  }
0x1e: {  	v3 =	vor.u32 v3, v4  }
0x1f: {  	v4 =	vperm.xlane v3, v0;
	_ =	sdelay $0x1  }
0x20: {  	v4 =	vadd.s32 v1, v4;
	_ =	sdelay $0x3  }
0x21: {  	s15 =	simm.s32 $0x100;
	v3 =	vperm.xlane v3, v2  }
0x22: {  	[tilespmem:s15], [sflag:$0x1] =	stream.indirect_vreg.gather [hbm4b:s5+s3], $0x80, v4, vm0, $0xb8;
	[tilespmem:$0xC100] =	vst v63  }
0x23: {  	s16 =	simm.s32 $0x900;
	v3 =	vadd.s32 v1, v3  }
0x24: {  	[tilespmem:s16], [sflag:$0x1] =	stream.indirect_vreg.gather [hbm4b:s6+s3], $0x80, v4, vm0, $0xb8;
	[tilespmem:$0xC100] =	vst v63  }
0x25: {  	_ = 	snop  }
0x26: {  	[tilespmem:s17], [sflag:$0x1] =	stream.indirect_vreg.gather [hbm4b:s7+s3], $0x80, v4, vm0, $0xb8;
	[tilespmem:$0xC100] =	vst v63  }
0x27: {  	_ = 	snop  }
0x28: {  	[tilespmem:s18], [sflag:$0x1] =	stream.indirect_vreg.gather [hbm4b:s5+s3], $0x80, v3, vm0, $0xb8;
	[tilespmem:$0xC100] =	vst v63  }
0x29: {  	_ = 	snop  }
0x2a: {  	[tilespmem:s19], [sflag:$0x1] =	stream.indirect_vreg.gather [hbm4b:s6+s3], $0x80, v3, vm0, $0xb8;
	[tilespmem:$0xC100] =	vst v63  }
0x2b: {  	_ = 	snop  }
0x2c: {  	[tilespmem:s20], [sflag:$0x1] =	stream.indirect_vreg.gather [hbm4b:s7+s3], $0x80, v3, vm0, $0xb8;
	[tilespmem:$0xC100] =	vst v63  }
0x2d: {  	v3 =	vld [tilespmem:$0x10];
	_ =	sdelay $0x4  }
0x2e: {  	v57 =	vshrl.u32 v3, $0x3  }
0x2f: {  	v4 =	vmul.u32 $0x30, v57  }
0x30: {  	v3 =	vand.u32 $0x7, v3  }
0x31: {  	v3 =	vor.u32 v3, v4  }
0x32: {  	v4 =	vperm.xlane v3, v0;
	_ =	sdelay $0x1  }
0x33: {  	v4 =	vadd.s32 v1, v4;
	_ =	sdelay $0x3  }
0x34: {  	v3 =	vperm.xlane v3, v2  }
0x35: {  	[tilespmem:s21], [sflag:$0x1] =	stream.indirect_vreg.gather [hbm4b:s5+s3], $0x80, v4, vm0, $0xb8;
	[tilespmem:$0xC100] =	vst v63  }
0x36: {  	v3 =	vadd.s32 v1, v3  }
0x37: {  	[tilespmem:s22], [sflag:$0x1] =	stream.indirect_vreg.gather [hbm4b:s6+s3], $0x80, v4, vm0, $0xb8;
	[tilespmem:$0xC100] =	vst v63  }
0x38: {  	_ = 	snop  }
0x39: {  	[tilespmem:s23], [sflag:$0x1] =	stream.indirect_vreg.gather [hbm4b:s7+s3], $0x80, v4, vm0, $0xb8;
	[tilespmem:$0xC100] =	vst v63  }
0x3a: {  	_ = 	snop  }
0x3b: {  	[tilespmem:s24], [sflag:$0x1] =	stream.indirect_vreg.gather [hbm4b:s5+s3], $0x80, v3, vm0, $0xb8;
	[tilespmem:$0xC100] =	vst v63  }
0x3c: {  	_ = 	snop  }
0x3d: {  	[tilespmem:s25], [sflag:$0x1] =	stream.indirect_vreg.gather [hbm4b:s6+s3], $0x80, v3, vm0, $0xb8;
	[tilespmem:$0xC100] =	vst v63  }
0x3e: {  	_ = 	snop  }
0x3f: {  	[tilespmem:s26], [sflag:$0x1] =	stream.indirect_vreg.gather [hbm4b:s7+s3], $0x80, v3, vm0, $0xb8;
	[tilespmem:$0xC100] =	vst v63  }
0x40: {  	v3 =	vld [tilespmem:$0x20];
	_ =	sdelay $0x4  }
0x41: {  	v58 =	vshrl.u32 v3, $0x3  }
0x42: {  	v4 =	vmul.u32 $0x30, v58  }
0x43: {  	v3 =	vand.u32 $0x7, v3  }
0x44: {  	v3 =	vor.u32 v3, v4  }
0x45: {  	v4 =	vperm.xlane v3, v0;
	_ =	sdelay $0x1  }
0x46: {  	v4 =	vadd.s32 v1, v4;
	_ =	sdelay $0x3  }
0x47: {  	v3 =	vperm.xlane v3, v2  }
0x48: {  	[tilespmem:s28], [sflag:$0x1] =	stream.indirect_vreg.gather [hbm4b:s5+s3], $0x80, v4, vm0, $0xb8;
	[tilespmem:$0xC100] =	vst v63  }
0x49: {  	v3 =	vadd.s32 v1, v3  }
0x4a: {  	[tilespmem:s29], [sflag:$0x1] =	stream.indirect_vreg.gather [hbm4b:s6+s3], $0x80, v4, vm0, $0xb8;
	[tilespmem:$0xC100] =	vst v63  }
0x4b: {  	_ = 	snop  }
0x4c: {  	[tilespmem:s30], [sflag:$0x1] =	stream.indirect_vreg.gather [hbm4b:s7+s3], $0x80, v4, vm0, $0xb8;
	[tilespmem:$0xC100] =	vst v63  }
0x4d: {  	_ = 	snop  }
0x4e: {  	[tilespmem:s31], [sflag:$0x1] =	stream.indirect_vreg.gather [hbm4b:s5+s3], $0x80, v3, vm0, $0xb8;
	[tilespmem:$0xC100] =	vst v63  }
0x4f: {  	s1 =	simm.s32 $0x8100  }
0x50: {  	[tilespmem:s1], [sflag:$0x1] =	stream.indirect_vreg.gather [hbm4b:s6+s3], $0x80, v3, vm0, $0xb8;
	[tilespmem:$0xC100] =	vst v63  }
0x51: {  	s0 =	simm.s32 $0x8900  }
0x52: {  	[tilespmem:s0], [sflag:$0x1] =	stream.indirect_vreg.gather [hbm4b:s7+s3], $0x80, v3, vm0, $0xb8;
	[tilespmem:$0xC100] =	vst v63  }
0x53: {  	v3 =	vld [tilespmem:$0x30];
	_ =	sdelay $0x4  }
0x54: {  	v59 =	vshrl.u32 v3, $0x3  }
0x55: {  	v4 =	vmul.u32 $0x30, v59  }
0x56: {  	v3 =	vand.u32 $0x7, v3  }
0x57: {  	v3 =	vor.u32 v3, v4  }
0x58: {  	v4 =	vperm.xlane v3, v0;
	_ =	sdelay $0x1  }
0x59: {  	v4 =	vadd.s32 v1, v4;
	_ =	sdelay $0x3  }
0x5a: {  	v3 =	vperm.xlane v3, v2  }
0x5b: {  	[tilespmem:s4], [sflag:$0x1] =	stream.indirect_vreg.gather [hbm4b:s5+s3], $0x80, v4, vm0, $0xb8;
	[tilespmem:$0xC100] =	vst v63  }
0x5c: {  	v3 =	vadd.s32 v1, v3  }
0x5d: {  	[tilespmem:s12], [sflag:$0x1] =	stream.indirect_vreg.gather [hbm4b:s6+s3], $0x80, v4, vm0, $0xb8;
	[tilespmem:$0xC100] =	vst v63  }
0x5e: {  	_ = 	snop  }
0x5f: {  	[tilespmem:s13], [sflag:$0x1] =	stream.indirect_vreg.gather [hbm4b:s7+s3], $0x80, v4, vm0, $0xb8;
	[tilespmem:$0xC100] =	vst v63  }
0x60: {  	_ = 	snop  }
0x61: {  	[tilespmem:s11], [sflag:$0x1] =	stream.indirect_vreg.gather [hbm4b:s5+s3], $0x80, v3, vm0, $0xb8;
	[tilespmem:$0xC100] =	vst v63  }
0x62: {  	s0 =	simm.s32 $0xB100  }
0x63: {  	[tilespmem:s0], [sflag:$0x1] =	stream.indirect_vreg.gather [hbm4b:s6+s3], $0x80, v3, vm0, $0xb8;
	[tilespmem:$0xC100] =	vst v63  }
0x64: {  	s0 =	simm.s32 $0xB900  }
0x65: {  	[tilespmem:s0], [sflag:$0x1] =	stream.indirect_vreg.gather [hbm4b:s7+s3], $0x80, v3, vm0, $0xb8;
	[tilespmem:$0xC100] =	vst v63  }
0x66: {  	_ =	swait.ge [sflag:s14], $0xC000  }
0x67: {  	[sflag:s14] =	ssyncset.done $0x0  }
0x68: {  	[sflag:s14] =	ssyncadd.s32 $0xFFFF4000  }
0x69: {  	v3 =	vld [tilespmem:$0x80];
	_ =	sdelay $0x4  }
0x6a: {  	v60 =	vshrl.u32 v3, $0x3  }
0x6b: {  	v4 =	vmul.u32 $0x30, v60  }
0x6c: {  	v3 =	vand.u32 $0x7, v3  }
0x6d: {  	v3 =	vor.u32 v3, v4  }
0x6e: {  	v4 =	vperm.xlane v3, v0;
	_ =	sdelay $0x1  }
0x6f: {  	v4 =	vadd.s32 v1, v4;
	_ =	sdelay $0x3  }
0x70: {  	v3 =	vperm.xlane v3, v2  }
0x71: {  	[hbm4b:s2+s3] =	stream.indirect_vreg.scatter [tilespmem:s15], [sflag:$0x1], $0x80, v4, vm0, $0xb8;
	[tilespmem:$0xC100] =	vst v63  }
0x72: {  	v3 =	vadd.s32 v1, v3  }
0x73: {  	[hbm4b:s8+s3] =	stream.indirect_vreg.scatter [tilespmem:s16], [sflag:$0x1], $0x80, v4, vm0, $0xb8;
	[tilespmem:$0xC100] =	vst v63  }
0x74: {  	_ = 	snop  }
0x75: {  	[hbm4b:s9+s3] =	stream.indirect_vreg.scatter [tilespmem:s17], [sflag:$0x1], $0x80, v4, vm0, $0xb8;
	[tilespmem:$0xC100] =	vst v63  }
0x76: {  	_ = 	snop  }
0x77: {  	[hbm4b:s2+s3] =	stream.indirect_vreg.scatter [tilespmem:s18], [sflag:$0x1], $0x80, v3, vm0, $0xb8;
	[tilespmem:$0xC100] =	vst v63  }
0x78: {  	_ = 	snop  }
0x79: {  	[hbm4b:s8+s3] =	stream.indirect_vreg.scatter [tilespmem:s19], [sflag:$0x1], $0x80, v3, vm0, $0xb8;
	[tilespmem:$0xC100] =	vst v63  }
0x7a: {  	_ = 	snop  }
0x7b: {  	[hbm4b:s9+s3] =	stream.indirect_vreg.scatter [tilespmem:s20], [sflag:$0x1], $0x80, v3, vm0, $0xb8;
	[tilespmem:$0xC100] =	vst v63  }
0x7c: {  	v3 =	vld [tilespmem:$0x90];
	_ =	sdelay $0x4  }
0x7d: {  	v61 =	vshrl.u32 v3, $0x3  }
0x7e: {  	v4 =	vmul.u32 $0x30, v61  }
0x7f: {  	v3 =	vand.u32 $0x7, v3  }
0x80: {  	v3 =	vor.u32 v3, v4  }
0x81: {  	v4 =	vperm.xlane v3, v0;
	_ =	sdelay $0x1  }
0x82: {  	v4 =	vadd.s32 v1, v4;
	_ =	sdelay $0x3  }
0x83: {  	v3 =	vperm.xlane v3, v2  }
0x84: {  	[hbm4b:s2+s3] =	stream.indirect_vreg.scatter [tilespmem:s21], [sflag:$0x1], $0x80, v4, vm0, $0xb8;
	[tilespmem:$0xC100] =	vst v63  }
0x85: {  	v3 =	vadd.s32 v1, v3  }
0x86: {  	[hbm4b:s8+s3] =	stream.indirect_vreg.scatter [tilespmem:s22], [sflag:$0x1], $0x80, v4, vm0, $0xb8;
	[tilespmem:$0xC100] =	vst v63  }
0x87: {  	_ = 	snop  }
0x88: {  	[hbm4b:s9+s3] =	stream.indirect_vreg.scatter [tilespmem:s23], [sflag:$0x1], $0x80, v4, vm0, $0xb8;
	[tilespmem:$0xC100] =	vst v63  }
0x89: {  	_ = 	snop  }
0x8a: {  	[hbm4b:s2+s3] =	stream.indirect_vreg.scatter [tilespmem:s24], [sflag:$0x1], $0x80, v3, vm0, $0xb8;
	[tilespmem:$0xC100] =	vst v63  }
0x8b: {  	_ = 	snop  }
0x8c: {  	[hbm4b:s8+s3] =	stream.indirect_vreg.scatter [tilespmem:s25], [sflag:$0x1], $0x80, v3, vm0, $0xb8;
	[tilespmem:$0xC100] =	vst v63  }
0x8d: {  	_ = 	snop  }
0x8e: {  	[hbm4b:s9+s3] =	stream.indirect_vreg.scatter [tilespmem:s26], [sflag:$0x1], $0x80, v3, vm0, $0xb8;
	[tilespmem:$0xC100] =	vst v63  }
0x8f: {  	v3 =	vld [tilespmem:$0xA0];
	_ =	sdelay $0x4  }
0x90: {  	v62 =	vshrl.u32 v3, $0x3  }
0x91: {  	v4 =	vmul.u32 $0x30, v62  }
0x92: {  	v3 =	vand.u32 $0x7, v3  }
0x93: {  	v3 =	vor.u32 v3, v4  }
0x94: {  	v4 =	vperm.xlane v3, v0;
	_ =	sdelay $0x1  }
0x95: {  	v4 =	vadd.s32 v1, v4;
	_ =	sdelay $0x3  }
0x96: {  	v3 =	vperm.xlane v3, v2  }
0x97: {  	[hbm4b:s2+s3] =	stream.indirect_vreg.scatter [tilespmem:s28], [sflag:$0x1], $0x80, v4, vm0, $0xb8;
	[tilespmem:$0xC100] =	vst v63  }
0x98: {  	v3 =	vadd.s32 v1, v3  }
0x99: {  	[hbm4b:s8+s3] =	stream.indirect_vreg.scatter [tilespmem:s29], [sflag:$0x1], $0x80, v4, vm0, $0xb8;
	[tilespmem:$0xC100] =	vst v63  }
0x9a: {  	_ = 	snop  }
0x9b: {  	[hbm4b:s9+s3] =	stream.indirect_vreg.scatter [tilespmem:s30], [sflag:$0x1], $0x80, v4, vm0, $0xb8;
	[tilespmem:$0xC100] =	vst v63  }
0x9c: {  	_ = 	snop  }
0x9d: {  	[hbm4b:s2+s3] =	stream.indirect_vreg.scatter [tilespmem:s31], [sflag:$0x1], $0x80, v3, vm0, $0xb8;
	[tilespmem:$0xC100] =	vst v63  }
0x9e: {  	_ = 	snop  }
0x9f: {  	[hbm4b:s8+s3] =	stream.indirect_vreg.scatter [tilespmem:s1], [sflag:$0x1], $0x80, v3, vm0, $0xb8;
	[tilespmem:$0xC100] =	vst v63  }
0xa0: {  	s15 =	simm.s32 $0x8900  }
0xa1: {  	[hbm4b:s9+s3] =	stream.indirect_vreg.scatter [tilespmem:s15], [sflag:$0x1], $0x80, v3, vm0, $0xb8;
	[tilespmem:$0xC100] =	vst v63  }
0xa2: {  	v3 =	vld [tilespmem:$0xB0];
	_ =	sdelay $0x4  }
0xa3: {  	v63 =	vshrl.u32 v3, $0x3  }
0xa4: {  	v4 =	vmul.u32 $0x30, v63  }
0xa5: {  	v3 =	vand.u32 $0x7, v3  }
0xa6: {  	v3 =	vor.u32 v3, v4  }
0xa7: {  	v4 =	vperm.xlane v3, v0;
	_ =	sdelay $0x1  }
0xa8: {  	v4 =	vadd.s32 v1, v4;
	_ =	sdelay $0x3  }
0xa9: {  	v3 =	vperm.xlane v3, v2  }
0xaa: {  	[hbm4b:s2+s3] =	stream.indirect_vreg.scatter [tilespmem:s4], [sflag:$0x1], $0x80, v4, vm0, $0xb8;
	[tilespmem:$0xC100] =	vst v63  }
0xab: {  	v3 =	vadd.s32 v1, v3  }
0xac: {  	[hbm4b:s8+s3] =	stream.indirect_vreg.scatter [tilespmem:s12], [sflag:$0x1], $0x80, v4, vm0, $0xb8;
	[tilespmem:$0xC100] =	vst v63  }
0xad: {  	_ = 	snop  }
0xae: {  	[hbm4b:s9+s3] =	stream.indirect_vreg.scatter [tilespmem:s13], [sflag:$0x1], $0x80, v4, vm0, $0xb8;
	[tilespmem:$0xC100] =	vst v63  }
0xaf: {  	_ = 	snop  }
0xb0: {  	[hbm4b:s2+s3] =	stream.indirect_vreg.scatter [tilespmem:s11], [sflag:$0x1], $0x80, v3, vm0, $0xb8;
	[tilespmem:$0xC100] =	vst v63  }
0xb1: {  	p0 =	sne.s32 s10, $0x1;
	s16 =	simm.s32 $0xB100  }
0xb2: {  	[hbm4b:s8+s3] =	stream.indirect_vreg.scatter [tilespmem:s16], [sflag:$0x1], $0x80, v3, vm0, $0xb8;
	[tilespmem:$0xC100] =	vst v63  }
.Ltmp0:
0xb3: {  	s0 =	simm.s32 $0xB900;
	(pc) =	sbr.rel @p0 .LBB2_1-.Ltmp0, $4  }
0xb4: {  	[hbm4b:s9+s3] =	stream.indirect_vreg.scatter [tilespmem:s0], [sflag:$0x1], $0x80, v3, vm0, $0xb8;
	[tilespmem:$0xC100] =	vst v63  }
0xb5: {  	_ =	swait.ge [sflag:s14], $0xC000  }
0xb6: {  	[sflag:s14] =	ssyncset.done $0x0  }
0xb7: {  	s10 =	sadd.s32 $0xFFFFFFFF, s10;
	[sflag:s14] =	ssyncadd.s32 $0xFFFF4000  }
0xb8: {  	_ =	sfence.sel $0x180000  }
0xb9: {  	[bflag:$0x0] =	sbarrier.arrive $0xFFFF  }
0xba: {  	_ =	strace $0x9000004A  }
0xbb: {  	s0 =	stileid.u32;
	[bflag:$0x2] =	sbarrier.arrive $0xFFFF  }
0xbc: {  	p0 =	sne.s32 s0, $0x0;
	s0 =	rddreg [dreg:$0x2]  }
0xbd: {  	s0 =	sadd.s32 @!p0 $0x100000, s0  }
0xbe: {  	[sflag:s0] =	ssyncadd.tile.s32 @!p0 $0x1;
	_ =	shalt  }
.Lfunc_end2:
_tile_overlayer_lowered:
.L_overlay_start_2:
0xbf: {  	(tag) =	ssettag $0x2  }
0xc0: {  	s0 =	rddreg [dreg:$0x0];
	s2 =	stileid.u32  }
0xc1: {  	s1 =	rddreg [dreg:$0x1];
	p0 =	sne.s32 s2, $0x0  }
0xc2: {  	s3 =	rddreg [dreg:$0x2];
	[bflag:$0x3] =	sbarrier.arrive $0xFFFF;
	s2 =	simm.s32 @!p0 $0x1C02  }
0xc3: {  	[timem:s3], [sflag:s2] =	dma.local @!p0 [hbm:s0], s1  }
0xc4: {  	s0 =	simm.s32 @!p0 $0x2  }
0xc5: {  	_ =	swait.ge @!p0 [sflag:s0], s1  }
0xc6: {  	s1 =	ssub.s32 @!p0 $0x0, s1;
	[sflag:s0] =	ssyncset.done @!p0 $0x0  }
0xc7: {  	[sflag:s0] =	ssyncadd.s32 @!p0 s1  }
0xc8: {  	[bflag:$0x3] =	sbarrier.arrive $0xFFFF  }
0xc9: {  	_ =	shalt  }

</sc_bundles>
